<compile_context>
chip_gen: v7x
topology: tpu7x:2x2x1
jax: 0.10.2.dev20260603
libtpu: 0.0.44.dev20260713+nightly
codegen_flags: <defaults>
</compile_context>

<pallas_src>
import functools

import jax
import jax.numpy as jnp
from jax import lax
from jax.experimental import pallas as pl
from jax.experimental.pallas import tpu as pltpu
from jax.experimental.pallas import tpu_sc as plsc

B = 4096
L = 200
VOCAB = 1000
VPAD = 1024
DIM = 128
PACK = 65536.0

NC = 2
NS = 16
LANES = 16
NW = NC * NS
ROWS_W = B // NW
RPG = 2 * LANES
GROUPS = ROWS_W // RPG

HIST_W = LANES * VPAD


def _sc_hist_kernel(xg_hbm, counts_hbm, x_v, hist_v, sem0, sem1, xsem):
    wid = lax.axis_index("s") * NC + lax.axis_index("c")
    basep = wid * (ROWS_W // 2)

    xcopy = pltpu.async_copy(xg_hbm.at[wid], x_v, xsem)

    lane_off = lax.iota(jnp.int32, LANES) * VPAD
    ones = jnp.full((LANES,), 1.0, dtype=jnp.float32)
    hi_ones = jnp.full((LANES,), PACK, dtype=jnp.float32)
    zeros = jnp.zeros((LANES,), dtype=jnp.float32)
    sems = [sem0, sem1]
    pending = [None, None]

    def _zero_buf(boff):
        def _zero(i, _, boff=boff):
            for u in range(16):
                hist_v[pl.ds(boff + (i * 16 + u) * LANES, LANES)] = zeros
            return 0

        lax.fori_loop(0, HIST_W // LANES // 16, _zero, 0)

    _zero_buf(0)
    _zero_buf(HIST_W)
    xcopy.wait()

    for g in range(GROUPS):
        b = g % 2
        boff = b * HIST_W
        if pending[b] is not None:
            pending[b].wait()
        lane_off_g = lane_off + boff

        if g >= 2:
            _zero_buf(boff)

        def _scat(t, _, g=g, lane_off_g=lane_off_g):
            for u in range(8):
                pos = (t * 8 + u) * ROWS_W + g * RPG
                toks_lo = x_v[pl.ds(pos, LANES)]
                plsc.addupdate_scatter(hist_v, [lane_off_g + toks_lo], ones)
                toks_hi = x_v[pl.ds(pos + LANES, LANES)]
                plsc.addupdate_scatter(hist_v, [lane_off_g + toks_hi], hi_ones)
            return 0

        lax.fori_loop(0, L // 8, _scat, 0)

        pending[b] = pltpu.async_copy(
            hist_v.at[pl.ds(boff, HIST_W)],
            counts_hbm.at[pl.ds((basep + g * LANES) * VPAD, HIST_W)],
            sems[b])

    for p in pending:
        if p is not None:
            p.wait()


@jax.jit
def _sc_hist(xg):
    mesh = plsc.VectorSubcoreMesh(core_axis_name="c", subcore_axis_name="s")
    return pl.kernel(
        _sc_hist_kernel,
        out_type=jax.ShapeDtypeStruct(((B // 2) * VPAD,), jnp.float32),
        mesh=mesh,
        scratch_types=[
            pltpu.VMEM((L * ROWS_W,), jnp.int32),
            pltpu.VMEM((2 * HIST_W,), jnp.float32),
            pltpu.SemaphoreType.DMA,
            pltpu.SemaphoreType.DMA,
            pltpu.SemaphoreType.DMA,
        ],
        compiler_params=pltpu.CompilerParams(needs_layout_passes=False),
    )(xg)


def _tc_mlp_kernel(counts_ref, emb_ref, W1_ref, b1_ref, W2_ref,
                   b2_ref, W3_ref, b3_ref, out_ref):
    c = counts_ref[...]
    hi = jnp.floor(c * (1.0 / PACK))
    lo = c - hi * PACK
    c2 = jnp.concatenate([lo, hi], axis=0)
    m = jnp.dot(c2, emb_ref[...], preferred_element_type=jnp.float32)
    h = jnp.maximum(jnp.dot(m, W1_ref[...],
                            preferred_element_type=jnp.float32) + b1_ref[...],
                    0.0)
    h2 = jnp.dot(h, W2_ref[...], preferred_element_type=jnp.float32) + b2_ref[...]
    h2 = jnp.where(h2 >= 0, h2, 0.01 * h2)
    o = jnp.dot(h2, W3_ref[...], preferred_element_type=jnp.float32) + b3_ref[...]
    bm = c.shape[0]
    out_ref[...] = jnp.concatenate([o[:bm], o[bm:]], axis=1)


def _tc_mlp(counts, emb_s, W1, b1, W2, b2, W3, b3):
    npk = counts.shape[0]
    BM = 1024
    grid = (npk // BM,)
    return pl.pallas_call(
        _tc_mlp_kernel,
        grid=grid,
        in_specs=[
            pl.BlockSpec((BM, VPAD), lambda i: (i, 0)),
            pl.BlockSpec((VPAD, DIM), lambda i: (0, 0)),
            pl.BlockSpec(W1.shape, lambda i: (0, 0)),
            pl.BlockSpec(b1.shape, lambda i: (0, 0)),
            pl.BlockSpec(W2.shape, lambda i: (0, 0)),
            pl.BlockSpec(b2.shape, lambda i: (0, 0)),
            pl.BlockSpec(W3.shape, lambda i: (0, 0)),
            pl.BlockSpec(b3.shape, lambda i: (0, 0)),
        ],
        out_specs=pl.BlockSpec((BM, 4), lambda i: (i, 0)),
        out_shape=jax.ShapeDtypeStruct((npk, 4), jnp.float32),
    )(counts, emb_s, W1, b1, W2, b2, W3, b3)


def kernel(x, length, emb, W1, b1, W2, b2, W3, b3):
    del length
    xg = x.astype(jnp.int32).reshape(NW, ROWS_W, L)
    xg = xg.transpose(0, 2, 1).reshape(NW, L * ROWS_W)
    counts = _sc_hist(xg).reshape(B // 2, VPAD)

    emb_s = jnp.pad(emb, ((0, VPAD - VOCAB), (0, 0))) * (1.0 / L)
    b1r = b1.reshape(1, -1)
    b2r = b2.reshape(1, -1)
    b3r = b3.reshape(1, -1)
    out4 = _tc_mlp(counts, emb_s, W1, b1r, W2, b2r, W3, b3r)

    o = out4.reshape(B // RPG, LANES, 4)
    lo = o[:, :, 0:2]
    hi = o[:, :, 2:4]
    return jnp.stack([lo, hi], axis=1).reshape(B, 2)

# --- scband reference (transcript-rebuilt; emitter-appended) ---
"""Pipeline reference for scband-doc-level-model-48653389529320 (READ-ONLY COPY).

The authoritative reference and input builder live on the scoring server;
editing this copy changes nothing except your own understanding.
"""

import jax, jax.numpy as jnp
import numpy as np

B = 4096
L = 200
VOCAB = 1000
DIM = 128

def setup_inputs(seed: int = 0) -> dict:
    key = jax.random.key(seed)
    ks = jax.random.split(key, 8)
    x = jax.random.randint(ks[0], (B, L), 0, 999)
    length = jax.random.randint(ks[1], (B,), 1, L + 1)
    emb = jax.random.normal(ks[2], (VOCAB, DIM), dtype=jnp.float32) * 0.02
    emb = emb.at[0].set(0.0)  # padding_idx row zeroed like nn.Embedding(padding_idx=0)
    W1 = jax.random.normal(ks[3], (DIM, 300), dtype=jnp.float32) * (1.0 / np.sqrt(DIM))
    b1 = jnp.zeros((300,), dtype=jnp.float32)
    W2 = jax.random.normal(ks[4], (300, 24), dtype=jnp.float32) * (1.0 / np.sqrt(300))
    b2 = jnp.zeros((24,), dtype=jnp.float32)
    W3 = jax.random.normal(ks[5], (24, 2), dtype=jnp.float32) * (1.0 / np.sqrt(24))
    b3 = jnp.zeros((2,), dtype=jnp.float32)
    return {"x": x, "length": length, "emb": emb, "W1": W1, "b1": b1, "W2": W2, "b2": b2, "W3": W3, "b3": b3}

def reference(x, length, emb, W1, b1, W2, b2, W3, b3):
    # embedding lookup (gather) -> mean pool over sequence -> MLP head
    e = jnp.take(emb, x, axis=0)            # [B, L, DIM]
    m = jnp.mean(e, axis=1)                  # [B, DIM] (length is unused in this path, matching torch)
    h = jnp.maximum(m @ W1 + b1, 0.0)        # Linear + ReLU (Dropout is identity in eval)
    h2 = h @ W2 + b2                         # Linear
    h2 = jnp.where(h2 >= 0, h2, 0.01 * h2)   # LeakyReLU(0.01)
    out = h2 @ W3 + b3                       # Linear -> [B, num_class]
    return out

if __name__ == "__main__":
    import jax
    _d = setup_inputs()
    print(jax.jit(kernel)(*tuple(_d.values())))

</pallas_src>

<mosaic_0001>
#map = affine_map<(d0, d1) -> (0, 0)>
#map1 = affine_map<(d0, d1) -> (0)>
module attributes {stable_mosaic.version = 14 : i64} {
  func.func @_sc_hist_kernel(%arg0: i32, %arg1: i32, %arg2: memref<32x25600xi32, #tpu.memory_space<hbm>>, %arg3: memref<2097152xf32, #tpu.memory_space<hbm>>, %arg4: memref<25600xi32, #tpu.memory_space<vmem>>, %arg5: memref<32768xf32, #tpu.memory_space<vmem>>, %arg6: memref<!tpu.dma_semaphore, #tpu.memory_space<semaphore_mem>>, %arg7: memref<!tpu.dma_semaphore, #tpu.memory_space<semaphore_mem>>, %arg8: memref<!tpu.dma_semaphore, #tpu.memory_space<semaphore_mem>>) attributes {dimension_semantics = [#tpu.dimension_semantics<core_parallel>, #tpu.dimension_semantics<subcore_parallel>], iteration_bounds = array<i64: 2, 16>, scalar_prefetch = 0 : i64, scratch_operands = 5 : i64, tpu.core_type = #tpu.core_type<sc_vector_subcore>, window_params = [{transform_indices = #map}, {transform_indices = #map1}]} {
    %mul3A = arith.constant 2 : i32
    %mul3A_0 = arith.muli %arg1, %mul3A : i32
    %add3A = arith.addi %mul3A_0, %arg0 : i32
    %mul3A_1 = arith.constant 64 : i32
    %mul3A_2 = arith.muli %add3A, %mul3A_1 : i32
    %dma_start3A = arith.constant 0 : i32
    %dma_start3A_3 = tpu.memref_slice %arg2[%add3A, %dma_start3A] : memref<32x25600xi32, #tpu.memory_space<hbm>> -> memref<1x25600xi32, #tpu.memory_space<hbm>>
    %dma_start3A_4 = tpu.memref_squeeze %dma_start3A_3 : memref<1x25600xi32, #tpu.memory_space<hbm>> -> memref<25600xi32, #tpu.memory_space<hbm>>
    %dma_start3A_5 = arith.constant 0 : i32
    %dma_start3A_6 = tpu.memref_slice %arg2[%add3A, %dma_start3A_5] : memref<32x25600xi32, #tpu.memory_space<hbm>> -> memref<1x25600xi32, #tpu.memory_space<hbm>>
    %dma_start3A_7 = tpu.memref_squeeze %dma_start3A_6 : memref<1x25600xi32, #tpu.memory_space<hbm>> -> memref<25600xi32, #tpu.memory_space<hbm>>
    tpu.enqueue_dma source(%dma_start3A_7 : memref<25600xi32, #tpu.memory_space<hbm>>) target(%arg4 : memref<25600xi32, #tpu.memory_space<vmem>>) target_semaphore(%arg8 : memref<!tpu.dma_semaphore, #tpu.memory_space<semaphore_mem>>)
    %iota3A = tpu.iota {dimensions = array<i32: 0>} : vector<16xi32>
    %mul3A_8 = arith.constant 1024 : i32
    %mul3A_9 = vector.broadcast %mul3A_8 : i32 to vector<16xi32>
    %mul3A_10 = arith.muli %iota3A, %mul3A_9 : vector<16xi32>
    %broadcast_in_dim3A = arith.constant 1.000000e+00 : f32
    %broadcast_in_dim3A_11 = vector.broadcast %broadcast_in_dim3A : f32 to vector<16xf32>
    %broadcast_in_dim3A_12 = arith.constant 6.553600e+04 : f32
    %broadcast_in_dim3A_13 = vector.broadcast %broadcast_in_dim3A_12 : f32 to vector<16xf32>
    %broadcast_in_dim3A_14 = arith.constant 0.000000e+00 : f32
    %broadcast_in_dim3A_15 = vector.broadcast %broadcast_in_dim3A_14 : f32 to vector<16xf32>
    %scan3A = arith.constant 0 : i32
    %scan3A_16 = arith.constant 0 : i32
    %scan3A_17 = arith.constant 64 : i32
    %scan3A_18 = arith.addi %scan3A_16, %scan3A_17 : i32
    %scan3A_19 = arith.constant 1 : i32
    %scan3A_20 = scf.for %scan3A_152 = %scan3A_16 to %scan3A_18 step %scan3A_19 iter_args(%scan3A_153 = %scan3A) -> (i32)  : i32 {
      %mul3A_154 = arith.constant 16 : i32
      %mul3A_155 = arith.muli %scan3A_152, %mul3A_154 : i32
      %add3A_156 = arith.constant 0 : i32
      %add3A_157 = arith.addi %mul3A_155, %add3A_156 : i32
      %mul3A_158 = arith.constant 16 : i32
      %mul3A_159 = arith.muli %add3A_157, %mul3A_158 : i32
      %add3A_160 = arith.constant 0 : i32
      %add3A_161 = arith.addi %add3A_160, %mul3A_159 : i32
      %swap3A = arith.index_cast %add3A_161 : i32 to index
      %swap3A_162 = tpu.vector_load %arg5[%swap3A] {strides = array<i32>} : memref<32768xf32, #tpu.memory_space<vmem>>, vector<16xf32>,
      tpu.vector_store %arg5[%swap3A], %broadcast_in_dim3A_15 {strides = array<i32>} : memref<32768xf32, #tpu.memory_space<vmem>>, vector<16xf32>,
      %mul3A_163 = arith.constant 16 : i32
      %mul3A_164 = arith.muli %scan3A_152, %mul3A_163 : i32
      %add3A_165 = arith.constant 1 : i32
      %add3A_166 = arith.addi %mul3A_164, %add3A_165 : i32
      %mul3A_167 = arith.constant 16 : i32
      %mul3A_168 = arith.muli %add3A_166, %mul3A_167 : i32
      %add3A_169 = arith.constant 0 : i32
      %add3A_170 = arith.addi %add3A_169, %mul3A_168 : i32
      %swap3A_171 = arith.index_cast %add3A_170 : i32 to index
      %swap3A_172 = tpu.vector_load %arg5[%swap3A_171] {strides = array<i32>} : memref<32768xf32, #tpu.memory_space<vmem>>, vector<16xf32>,
      tpu.vector_store %arg5[%swap3A_171], %broadcast_in_dim3A_15 {strides = array<i32>} : memref<32768xf32, #tpu.memory_space<vmem>>, vector<16xf32>,
      %mul3A_173 = arith.constant 16 : i32
      %mul3A_174 = arith.muli %scan3A_152, %mul3A_173 : i32
      %add3A_175 = arith.constant 2 : i32
      %add3A_176 = arith.addi %mul3A_174, %add3A_175 : i32
      %mul3A_177 = arith.constant 16 : i32
      %mul3A_178 = arith.muli %add3A_176, %mul3A_177 : i32
      %add3A_179 = arith.constant 0 : i32
      %add3A_180 = arith.addi %add3A_179, %mul3A_178 : i32
      %swap3A_181 = arith.index_cast %add3A_180 : i32 to index
      %swap3A_182 = tpu.vector_load %arg5[%swap3A_181] {strides = array<i32>} : memref<32768xf32, #tpu.memory_space<vmem>>, vector<16xf32>,
      tpu.vector_store %arg5[%swap3A_181], %broadcast_in_dim3A_15 {strides = array<i32>} : memref<32768xf32, #tpu.memory_space<vmem>>, vector<16xf32>,
      %mul3A_183 = arith.constant 16 : i32
      %mul3A_184 = arith.muli %scan3A_152, %mul3A_183 : i32
      %add3A_185 = arith.constant 3 : i32
      %add3A_186 = arith.addi %mul3A_184, %add3A_185 : i32
      %mul3A_187 = arith.constant 16 : i32
      %mul3A_188 = arith.muli %add3A_186, %mul3A_187 : i32
      %add3A_189 = arith.constant 0 : i32
      %add3A_190 = arith.addi %add3A_189, %mul3A_188 : i32
      %swap3A_191 = arith.index_cast %add3A_190 : i32 to index
      %swap3A_192 = tpu.vector_load %arg5[%swap3A_191] {strides = array<i32>} : memref<32768xf32, #tpu.memory_space<vmem>>, vector<16xf32>,
      tpu.vector_store %arg5[%swap3A_191], %broadcast_in_dim3A_15 {strides = array<i32>} : memref<32768xf32, #tpu.memory_space<vmem>>, vector<16xf32>,
      %mul3A_193 = arith.constant 16 : i32
      %mul3A_194 = arith.muli %scan3A_152, %mul3A_193 : i32
      %add3A_195 = arith.constant 4 : i32
      %add3A_196 = arith.addi %mul3A_194, %add3A_195 : i32
      %mul3A_197 = arith.constant 16 : i32
      %mul3A_198 = arith.muli %add3A_196, %mul3A_197 : i32
      %add3A_199 = arith.constant 0 : i32
      %add3A_200 = arith.addi %add3A_199, %mul3A_198 : i32
      %swap3A_201 = arith.index_cast %add3A_200 : i32 to index
      %swap3A_202 = tpu.vector_load %arg5[%swap3A_201] {strides = array<i32>} : memref<32768xf32, #tpu.memory_space<vmem>>, vector<16xf32>,
      tpu.vector_store %arg5[%swap3A_201], %broadcast_in_dim3A_15 {strides = array<i32>} : memref<32768xf32, #tpu.memory_space<vmem>>, vector<16xf32>,
      %mul3A_203 = arith.constant 16 : i32
      %mul3A_204 = arith.muli %scan3A_152, %mul3A_203 : i32
      %add3A_205 = arith.constant 5 : i32
      %add3A_206 = arith.addi %mul3A_204, %add3A_205 : i32
      %mul3A_207 = arith.constant 16 : i32
      %mul3A_208 = arith.muli %add3A_206, %mul3A_207 : i32
      %add3A_209 = arith.constant 0 : i32
      %add3A_210 = arith.addi %add3A_209, %mul3A_208 : i32
      %swap3A_211 = arith.index_cast %add3A_210 : i32 to index
      %swap3A_212 = tpu.vector_load %arg5[%swap3A_211] {strides = array<i32>} : memref<32768xf32, #tpu.memory_space<vmem>>, vector<16xf32>,
      tpu.vector_store %arg5[%swap3A_211], %broadcast_in_dim3A_15 {strides = array<i32>} : memref<32768xf32, #tpu.memory_space<vmem>>, vector<16xf32>,
      %mul3A_213 = arith.constant 16 : i32
      %mul3A_214 = arith.muli %scan3A_152, %mul3A_213 : i32
      %add3A_215 = arith.constant 6 : i32
      %add3A_216 = arith.addi %mul3A_214, %add3A_215 : i32
      %mul3A_217 = arith.constant 16 : i32
      %mul3A_218 = arith.muli %add3A_216, %mul3A_217 : i32
      %add3A_219 = arith.constant 0 : i32
      %add3A_220 = arith.addi %add3A_219, %mul3A_218 : i32
      %swap3A_221 = arith.index_cast %add3A_220 : i32 to index
      %swap3A_222 = tpu.vector_load %arg5[%swap3A_221] {strides = array<i32>} : memref<32768xf32, #tpu.memory_space<vmem>>, vector<16xf32>,
      tpu.vector_store %arg5[%swap3A_221], %broadcast_in_dim3A_15 {strides = array<i32>} : memref<32768xf32, #tpu.memory_space<vmem>>, vector<16xf32>,
      %mul3A_223 = arith.constant 16 : i32
      %mul3A_224 = arith.muli %scan3A_152, %mul3A_223 : i32
      %add3A_225 = arith.constant 7 : i32
      %add3A_226 = arith.addi %mul3A_224, %add3A_225 : i32
      %mul3A_227 = arith.constant 16 : i32
      %mul3A_228 = arith.muli %add3A_226, %mul3A_227 : i32
      %add3A_229 = arith.constant 0 : i32
      %add3A_230 = arith.addi %add3A_229, %mul3A_228 : i32
      %swap3A_231 = arith.index_cast %add3A_230 : i32 to index
      %swap3A_232 = tpu.vector_load %arg5[%swap3A_231] {strides = array<i32>} : memref<32768xf32, #tpu.memory_space<vmem>>, vector<16xf32>,
      tpu.vector_store %arg5[%swap3A_231], %broadcast_in_dim3A_15 {strides = array<i32>} : memref<32768xf32, #tpu.memory_space<vmem>>, vector<16xf32>,
      %mul3A_233 = arith.constant 16 : i32
      %mul3A_234 = arith.muli %scan3A_152, %mul3A_233 : i32
      %add3A_235 = arith.constant 8 : i32
      %add3A_236 = arith.addi %mul3A_234, %add3A_235 : i32
      %mul3A_237 = arith.constant 16 : i32
      %mul3A_238 = arith.muli %add3A_236, %mul3A_237 : i32
      %add3A_239 = arith.constant 0 : i32
      %add3A_240 = arith.addi %add3A_239, %mul3A_238 : i32
      %swap3A_241 = arith.index_cast %add3A_240 : i32 to index
      %swap3A_242 = tpu.vector_load %arg5[%swap3A_241] {strides = array<i32>} : memref<32768xf32, #tpu.memory_space<vmem>>, vector<16xf32>,
      tpu.vector_store %arg5[%swap3A_241], %broadcast_in_dim3A_15 {strides = array<i32>} : memref<32768xf32, #tpu.memory_space<vmem>>, vector<16xf32>,
      %mul3A_243 = arith.constant 16 : i32
      %mul3A_244 = arith.muli %scan3A_152, %mul3A_243 : i32
      %add3A_245 = arith.constant 9 : i32
      %add3A_246 = arith.addi %mul3A_244, %add3A_245 : i32
      %mul3A_247 = arith.constant 16 : i32
      %mul3A_248 = arith.muli %add3A_246, %mul3A_247 : i32
      %add3A_249 = arith.constant 0 : i32
      %add3A_250 = arith.addi %add3A_249, %mul3A_248 : i32
      %swap3A_251 = arith.index_cast %add3A_250 : i32 to index
      %swap3A_252 = tpu.vector_load %arg5[%swap3A_251] {strides = array<i32>} : memref<32768xf32, #tpu.memory_space<vmem>>, vector<16xf32>,
      tpu.vector_store %arg5[%swap3A_251], %broadcast_in_dim3A_15 {strides = array<i32>} : memref<32768xf32, #tpu.memory_space<vmem>>, vector<16xf32>,
      %mul3A_253 = arith.constant 16 : i32
      %mul3A_254 = arith.muli %scan3A_152, %mul3A_253 : i32
      %add3A_255 = arith.constant 10 : i32
      %add3A_256 = arith.addi %mul3A_254, %add3A_255 : i32
      %mul3A_257 = arith.constant 16 : i32
      %mul3A_258 = arith.muli %add3A_256, %mul3A_257 : i32
      %add3A_259 = arith.constant 0 : i32
      %add3A_260 = arith.addi %add3A_259, %mul3A_258 : i32
      %swap3A_261 = arith.index_cast %add3A_260 : i32 to index
      %swap3A_262 = tpu.vector_load %arg5[%swap3A_261] {strides = array<i32>} : memref<32768xf32, #tpu.memory_space<vmem>>, vector<16xf32>,
      tpu.vector_store %arg5[%swap3A_261], %broadcast_in_dim3A_15 {strides = array<i32>} : memref<32768xf32, #tpu.memory_space<vmem>>, vector<16xf32>,
      %mul3A_263 = arith.constant 16 : i32
      %mul3A_264 = arith.muli %scan3A_152, %mul3A_263 : i32
      %add3A_265 = arith.constant 11 : i32
      %add3A_266 = arith.addi %mul3A_264, %add3A_265 : i32
      %mul3A_267 = arith.constant 16 : i32
      %mul3A_268 = arith.muli %add3A_266, %mul3A_267 : i32
      %add3A_269 = arith.constant 0 : i32
      %add3A_270 = arith.addi %add3A_269, %mul3A_268 : i32
      %swap3A_271 = arith.index_cast %add3A_270 : i32 to index
      %swap3A_272 = tpu.vector_load %arg5[%swap3A_271] {strides = array<i32>} : memref<32768xf32, #tpu.memory_space<vmem>>, vector<16xf32>,
      tpu.vector_store %arg5[%swap3A_271], %broadcast_in_dim3A_15 {strides = array<i32>} : memref<32768xf32, #tpu.memory_space<vmem>>, vector<16xf32>,
      %mul3A_273 = arith.constant 16 : i32
      %mul3A_274 = arith.muli %scan3A_152, %mul3A_273 : i32
      %add3A_275 = arith.constant 12 : i32
      %add3A_276 = arith.addi %mul3A_274, %add3A_275 : i32
      %mul3A_277 = arith.constant 16 : i32
      %mul3A_278 = arith.muli %add3A_276, %mul3A_277 : i32
      %add3A_279 = arith.constant 0 : i32
      %add3A_280 = arith.addi %add3A_279, %mul3A_278 : i32
      %swap3A_281 = arith.index_cast %add3A_280 : i32 to index
      %swap3A_282 = tpu.vector_load %arg5[%swap3A_281] {strides = array<i32>} : memref<32768xf32, #tpu.memory_space<vmem>>, vector<16xf32>,
      tpu.vector_store %arg5[%swap3A_281], %broadcast_in_dim3A_15 {strides = array<i32>} : memref<32768xf32, #tpu.memory_space<vmem>>, vector<16xf32>,
      %mul3A_283 = arith.constant 16 : i32
      %mul3A_284 = arith.muli %scan3A_152, %mul3A_283 : i32
      %add3A_285 = arith.constant 13 : i32
      %add3A_286 = arith.addi %mul3A_284, %add3A_285 : i32
      %mul3A_287 = arith.constant 16 : i32
      %mul3A_288 = arith.muli %add3A_286, %mul3A_287 : i32
      %add3A_289 = arith.constant 0 : i32
      %add3A_290 = arith.addi %add3A_289, %mul3A_288 : i32
      %swap3A_291 = arith.index_cast %add3A_290 : i32 to index
      %swap3A_292 = tpu.vector_load %arg5[%swap3A_291] {strides = array<i32>} : memref<32768xf32, #tpu.memory_space<vmem>>, vector<16xf32>,
      tpu.vector_store %arg5[%swap3A_291], %broadcast_in_dim3A_15 {strides = array<i32>} : memref<32768xf32, #tpu.memory_space<vmem>>, vector<16xf32>,
      %mul3A_293 = arith.constant 16 : i32
      %mul3A_294 = arith.muli %scan3A_152, %mul3A_293 : i32
      %add3A_295 = arith.constant 14 : i32
      %add3A_296 = arith.addi %mul3A_294, %add3A_295 : i32
      %mul3A_297 = arith.constant 16 : i32
      %mul3A_298 = arith.muli %add3A_296, %mul3A_297 : i32
      %add3A_299 = arith.constant 0 : i32
      %add3A_300 = arith.addi %add3A_299, %mul3A_298 : i32
      %swap3A_301 = arith.index_cast %add3A_300 : i32 to index
      %swap3A_302 = tpu.vector_load %arg5[%swap3A_301] {strides = array<i32>} : memref<32768xf32, #tpu.memory_space<vmem>>, vector<16xf32>,
      tpu.vector_store %arg5[%swap3A_301], %broadcast_in_dim3A_15 {strides = array<i32>} : memref<32768xf32, #tpu.memory_space<vmem>>, vector<16xf32>,
      %mul3A_303 = arith.constant 16 : i32
      %mul3A_304 = arith.muli %scan3A_152, %mul3A_303 : i32
      %add3A_305 = arith.constant 15 : i32
      %add3A_306 = arith.addi %mul3A_304, %add3A_305 : i32
      %mul3A_307 = arith.constant 16 : i32
      %mul3A_308 = arith.muli %add3A_306, %mul3A_307 : i32
      %add3A_309 = arith.constant 0 : i32
      %add3A_310 = arith.addi %add3A_309, %mul3A_308 : i32
      %swap3A_311 = arith.index_cast %add3A_310 : i32 to index
      %swap3A_312 = tpu.vector_load %arg5[%swap3A_311] {strides = array<i32>} : memref<32768xf32, #tpu.memory_space<vmem>>, vector<16xf32>,
      tpu.vector_store %arg5[%swap3A_311], %broadcast_in_dim3A_15 {strides = array<i32>} : memref<32768xf32, #tpu.memory_space<vmem>>, vector<16xf32>,
      %scan3A_313 = arith.constant 0 : i32
      scf.yield %scan3A_313 : i32
    }
    %scan3A_21 = arith.constant 64 : i32
    %scan3A_22 = arith.constant 0 : i32
    %scan3A_23 = arith.constant 0 : i32
    %scan3A_24 = arith.constant 64 : i32
    %scan3A_25 = arith.addi %scan3A_23, %scan3A_24 : i32
    %scan3A_26 = arith.constant 1 : i32
    %scan3A_27 = scf.for %scan3A_152 = %scan3A_23 to %scan3A_25 step %scan3A_26 iter_args(%scan3A_153 = %scan3A_22) -> (i32)  : i32 {
      %mul3A_154 = arith.constant 16 : i32
      %mul3A_155 = arith.muli %scan3A_152, %mul3A_154 : i32
      %add3A_156 = arith.constant 0 : i32
      %add3A_157 = arith.addi %mul3A_155, %add3A_156 : i32
      %mul3A_158 = arith.constant 16 : i32
      %mul3A_159 = arith.muli %add3A_157, %mul3A_158 : i32
      %add3A_160 = arith.constant 16384 : i32
      %add3A_161 = arith.addi %add3A_160, %mul3A_159 : i32
      %swap3A = arith.index_cast %add3A_161 : i32 to index
      %swap3A_162 = tpu.vector_load %arg5[%swap3A] {strides = array<i32>} : memref<32768xf32, #tpu.memory_space<vmem>>, vector<16xf32>,
      tpu.vector_store %arg5[%swap3A], %broadcast_in_dim3A_15 {strides = array<i32>} : memref<32768xf32, #tpu.memory_space<vmem>>, vector<16xf32>,
      %mul3A_163 = arith.constant 16 : i32
      %mul3A_164 = arith.muli %scan3A_152, %mul3A_163 : i32
      %add3A_165 = arith.constant 1 : i32
      %add3A_166 = arith.addi %mul3A_164, %add3A_165 : i32
      %mul3A_167 = arith.constant 16 : i32
      %mul3A_168 = arith.muli %add3A_166, %mul3A_167 : i32
      %add3A_169 = arith.constant 16384 : i32
      %add3A_170 = arith.addi %add3A_169, %mul3A_168 : i32
      %swap3A_171 = arith.index_cast %add3A_170 : i32 to index
      %swap3A_172 = tpu.vector_load %arg5[%swap3A_171] {strides = array<i32>} : memref<32768xf32, #tpu.memory_space<vmem>>, vector<16xf32>,
      tpu.vector_store %arg5[%swap3A_171], %broadcast_in_dim3A_15 {strides = array<i32>} : memref<32768xf32, #tpu.memory_space<vmem>>, vector<16xf32>,
      %mul3A_173 = arith.constant 16 : i32
      %mul3A_174 = arith.muli %scan3A_152, %mul3A_173 : i32
      %add3A_175 = arith.constant 2 : i32
      %add3A_176 = arith.addi %mul3A_174, %add3A_175 : i32
      %mul3A_177 = arith.constant 16 : i32
      %mul3A_178 = arith.muli %add3A_176, %mul3A_177 : i32
      %add3A_179 = arith.constant 16384 : i32
      %add3A_180 = arith.addi %add3A_179, %mul3A_178 : i32
      %swap3A_181 = arith.index_cast %add3A_180 : i32 to index
      %swap3A_182 = tpu.vector_load %arg5[%swap3A_181] {strides = array<i32>} : memref<32768xf32, #tpu.memory_space<vmem>>, vector<16xf32>,
      tpu.vector_store %arg5[%swap3A_181], %broadcast_in_dim3A_15 {strides = array<i32>} : memref<32768xf32, #tpu.memory_space<vmem>>, vector<16xf32>,
      %mul3A_183 = arith.constant 16 : i32
      %mul3A_184 = arith.muli %scan3A_152, %mul3A_183 : i32
      %add3A_185 = arith.constant 3 : i32
      %add3A_186 = arith.addi %mul3A_184, %add3A_185 : i32
      %mul3A_187 = arith.constant 16 : i32
      %mul3A_188 = arith.muli %add3A_186, %mul3A_187 : i32
      %add3A_189 = arith.constant 16384 : i32
      %add3A_190 = arith.addi %add3A_189, %mul3A_188 : i32
      %swap3A_191 = arith.index_cast %add3A_190 : i32 to index
      %swap3A_192 = tpu.vector_load %arg5[%swap3A_191] {strides = array<i32>} : memref<32768xf32, #tpu.memory_space<vmem>>, vector<16xf32>,
      tpu.vector_store %arg5[%swap3A_191], %broadcast_in_dim3A_15 {strides = array<i32>} : memref<32768xf32, #tpu.memory_space<vmem>>, vector<16xf32>,
      %mul3A_193 = arith.constant 16 : i32
      %mul3A_194 = arith.muli %scan3A_152, %mul3A_193 : i32
      %add3A_195 = arith.constant 4 : i32
      %add3A_196 = arith.addi %mul3A_194, %add3A_195 : i32
      %mul3A_197 = arith.constant 16 : i32
      %mul3A_198 = arith.muli %add3A_196, %mul3A_197 : i32
      %add3A_199 = arith.constant 16384 : i32
      %add3A_200 = arith.addi %add3A_199, %mul3A_198 : i32
      %swap3A_201 = arith.index_cast %add3A_200 : i32 to index
      %swap3A_202 = tpu.vector_load %arg5[%swap3A_201] {strides = array<i32>} : memref<32768xf32, #tpu.memory_space<vmem>>, vector<16xf32>,
      tpu.vector_store %arg5[%swap3A_201], %broadcast_in_dim3A_15 {strides = array<i32>} : memref<32768xf32, #tpu.memory_space<vmem>>, vector<16xf32>,
      %mul3A_203 = arith.constant 16 : i32
      %mul3A_204 = arith.muli %scan3A_152, %mul3A_203 : i32
      %add3A_205 = arith.constant 5 : i32
      %add3A_206 = arith.addi %mul3A_204, %add3A_205 : i32
      %mul3A_207 = arith.constant 16 : i32
      %mul3A_208 = arith.muli %add3A_206, %mul3A_207 : i32
      %add3A_209 = arith.constant 16384 : i32
      %add3A_210 = arith.addi %add3A_209, %mul3A_208 : i32
      %swap3A_211 = arith.index_cast %add3A_210 : i32 to index
      %swap3A_212 = tpu.vector_load %arg5[%swap3A_211] {strides = array<i32>} : memref<32768xf32, #tpu.memory_space<vmem>>, vector<16xf32>,
      tpu.vector_store %arg5[%swap3A_211], %broadcast_in_dim3A_15 {strides = array<i32>} : memref<32768xf32, #tpu.memory_space<vmem>>, vector<16xf32>,
      %mul3A_213 = arith.constant 16 : i32
      %mul3A_214 = arith.muli %scan3A_152, %mul3A_213 : i32
      %add3A_215 = arith.constant 6 : i32
      %add3A_216 = arith.addi %mul3A_214, %add3A_215 : i32
      %mul3A_217 = arith.constant 16 : i32
      %mul3A_218 = arith.muli %add3A_216, %mul3A_217 : i32
      %add3A_219 = arith.constant 16384 : i32
      %add3A_220 = arith.addi %add3A_219, %mul3A_218 : i32
      %swap3A_221 = arith.index_cast %add3A_220 : i32 to index
      %swap3A_222 = tpu.vector_load %arg5[%swap3A_221] {strides = array<i32>} : memref<32768xf32, #tpu.memory_space<vmem>>, vector<16xf32>,
      tpu.vector_store %arg5[%swap3A_221], %broadcast_in_dim3A_15 {strides = array<i32>} : memref<32768xf32, #tpu.memory_space<vmem>>, vector<16xf32>,
      %mul3A_223 = arith.constant 16 : i32
      %mul3A_224 = arith.muli %scan3A_152, %mul3A_223 : i32
      %add3A_225 = arith.constant 7 : i32
      %add3A_226 = arith.addi %mul3A_224, %add3A_225 : i32
      %mul3A_227 = arith.constant 16 : i32
      %mul3A_228 = arith.muli %add3A_226, %mul3A_227 : i32
      %add3A_229 = arith.constant 16384 : i32
      %add3A_230 = arith.addi %add3A_229, %mul3A_228 : i32
      %swap3A_231 = arith.index_cast %add3A_230 : i32 to index
      %swap3A_232 = tpu.vector_load %arg5[%swap3A_231] {strides = array<i32>} : memref<32768xf32, #tpu.memory_space<vmem>>, vector<16xf32>,
      tpu.vector_store %arg5[%swap3A_231], %broadcast_in_dim3A_15 {strides = array<i32>} : memref<32768xf32, #tpu.memory_space<vmem>>, vector<16xf32>,
      %mul3A_233 = arith.constant 16 : i32
      %mul3A_234 = arith.muli %scan3A_152, %mul3A_233 : i32
      %add3A_235 = arith.constant 8 : i32
      %add3A_236 = arith.addi %mul3A_234, %add3A_235 : i32
      %mul3A_237 = arith.constant 16 : i32
      %mul3A_238 = arith.muli %add3A_236, %mul3A_237 : i32
      %add3A_239 = arith.constant 16384 : i32
      %add3A_240 = arith.addi %add3A_239, %mul3A_238 : i32
      %swap3A_241 = arith.index_cast %add3A_240 : i32 to index
      %swap3A_242 = tpu.vector_load %arg5[%swap3A_241] {strides = array<i32>} : memref<32768xf32, #tpu.memory_space<vmem>>, vector<16xf32>,
      tpu.vector_store %arg5[%swap3A_241], %broadcast_in_dim3A_15 {strides = array<i32>} : memref<32768xf32, #tpu.memory_space<vmem>>, vector<16xf32>,
      %mul3A_243 = arith.constant 16 : i32
      %mul3A_244 = arith.muli %scan3A_152, %mul3A_243 : i32
      %add3A_245 = arith.constant 9 : i32
      %add3A_246 = arith.addi %mul3A_244, %add3A_245 : i32
      %mul3A_247 = arith.constant 16 : i32
      %mul3A_248 = arith.muli %add3A_246, %mul3A_247 : i32
      %add3A_249 = arith.constant 16384 : i32
      %add3A_250 = arith.addi %add3A_249, %mul3A_248 : i32
      %swap3A_251 = arith.index_cast %add3A_250 : i32 to index
      %swap3A_252 = tpu.vector_load %arg5[%swap3A_251] {strides = array<i32>} : memref<32768xf32, #tpu.memory_space<vmem>>, vector<16xf32>,
      tpu.vector_store %arg5[%swap3A_251], %broadcast_in_dim3A_15 {strides = array<i32>} : memref<32768xf32, #tpu.memory_space<vmem>>, vector<16xf32>,
      %mul3A_253 = arith.constant 16 : i32
      %mul3A_254 = arith.muli %scan3A_152, %mul3A_253 : i32
      %add3A_255 = arith.constant 10 : i32
      %add3A_256 = arith.addi %mul3A_254, %add3A_255 : i32
      %mul3A_257 = arith.constant 16 : i32
      %mul3A_258 = arith.muli %add3A_256, %mul3A_257 : i32
      %add3A_259 = arith.constant 16384 : i32
      %add3A_260 = arith.addi %add3A_259, %mul3A_258 : i32
      %swap3A_261 = arith.index_cast %add3A_260 : i32 to index
      %swap3A_262 = tpu.vector_load %arg5[%swap3A_261] {strides = array<i32>} : memref<32768xf32, #tpu.memory_space<vmem>>, vector<16xf32>,
      tpu.vector_store %arg5[%swap3A_261], %broadcast_in_dim3A_15 {strides = array<i32>} : memref<32768xf32, #tpu.memory_space<vmem>>, vector<16xf32>,
      %mul3A_263 = arith.constant 16 : i32
      %mul3A_264 = arith.muli %scan3A_152, %mul3A_263 : i32
      %add3A_265 = arith.constant 11 : i32
      %add3A_266 = arith.addi %mul3A_264, %add3A_265 : i32
      %mul3A_267 = arith.constant 16 : i32
      %mul3A_268 = arith.muli %add3A_266, %mul3A_267 : i32
      %add3A_269 = arith.constant 16384 : i32
      %add3A_270 = arith.addi %add3A_269, %mul3A_268 : i32
      %swap3A_271 = arith.index_cast %add3A_270 : i32 to index
      %swap3A_272 = tpu.vector_load %arg5[%swap3A_271] {strides = array<i32>} : memref<32768xf32, #tpu.memory_space<vmem>>, vector<16xf32>,
      tpu.vector_store %arg5[%swap3A_271], %broadcast_in_dim3A_15 {strides = array<i32>} : memref<32768xf32, #tpu.memory_space<vmem>>, vector<16xf32>,
      %mul3A_273 = arith.constant 16 : i32
      %mul3A_274 = arith.muli %scan3A_152, %mul3A_273 : i32
      %add3A_275 = arith.constant 12 : i32
      %add3A_276 = arith.addi %mul3A_274, %add3A_275 : i32
      %mul3A_277 = arith.constant 16 : i32
      %mul3A_278 = arith.muli %add3A_276, %mul3A_277 : i32
      %add3A_279 = arith.constant 16384 : i32
      %add3A_280 = arith.addi %add3A_279, %mul3A_278 : i32
      %swap3A_281 = arith.index_cast %add3A_280 : i32 to index
      %swap3A_282 = tpu.vector_load %arg5[%swap3A_281] {strides = array<i32>} : memref<32768xf32, #tpu.memory_space<vmem>>, vector<16xf32>,
      tpu.vector_store %arg5[%swap3A_281], %broadcast_in_dim3A_15 {strides = array<i32>} : memref<32768xf32, #tpu.memory_space<vmem>>, vector<16xf32>,
      %mul3A_283 = arith.constant 16 : i32
      %mul3A_284 = arith.muli %scan3A_152, %mul3A_283 : i32
      %add3A_285 = arith.constant 13 : i32
      %add3A_286 = arith.addi %mul3A_284, %add3A_285 : i32
      %mul3A_287 = arith.constant 16 : i32
      %mul3A_288 = arith.muli %add3A_286, %mul3A_287 : i32
      %add3A_289 = arith.constant 16384 : i32
      %add3A_290 = arith.addi %add3A_289, %mul3A_288 : i32
      %swap3A_291 = arith.index_cast %add3A_290 : i32 to index
      %swap3A_292 = tpu.vector_load %arg5[%swap3A_291] {strides = array<i32>} : memref<32768xf32, #tpu.memory_space<vmem>>, vector<16xf32>,
      tpu.vector_store %arg5[%swap3A_291], %broadcast_in_dim3A_15 {strides = array<i32>} : memref<32768xf32, #tpu.memory_space<vmem>>, vector<16xf32>,
      %mul3A_293 = arith.constant 16 : i32
      %mul3A_294 = arith.muli %scan3A_152, %mul3A_293 : i32
      %add3A_295 = arith.constant 14 : i32
      %add3A_296 = arith.addi %mul3A_294, %add3A_295 : i32
      %mul3A_297 = arith.constant 16 : i32
      %mul3A_298 = arith.muli %add3A_296, %mul3A_297 : i32
      %add3A_299 = arith.constant 16384 : i32
      %add3A_300 = arith.addi %add3A_299, %mul3A_298 : i32
      %swap3A_301 = arith.index_cast %add3A_300 : i32 to index
      %swap3A_302 = tpu.vector_load %arg5[%swap3A_301] {strides = array<i32>} : memref<32768xf32, #tpu.memory_space<vmem>>, vector<16xf32>,
      tpu.vector_store %arg5[%swap3A_301], %broadcast_in_dim3A_15 {strides = array<i32>} : memref<32768xf32, #tpu.memory_space<vmem>>, vector<16xf32>,
      %mul3A_303 = arith.constant 16 : i32
      %mul3A_304 = arith.muli %scan3A_152, %mul3A_303 : i32
      %add3A_305 = arith.constant 15 : i32
      %add3A_306 = arith.addi %mul3A_304, %add3A_305 : i32
      %mul3A_307 = arith.constant 16 : i32
      %mul3A_308 = arith.muli %add3A_306, %mul3A_307 : i32
      %add3A_309 = arith.constant 16384 : i32
      %add3A_310 = arith.addi %add3A_309, %mul3A_308 : i32
      %swap3A_311 = arith.index_cast %add3A_310 : i32 to index
      %swap3A_312 = tpu.vector_load %arg5[%swap3A_311] {strides = array<i32>} : memref<32768xf32, #tpu.memory_space<vmem>>, vector<16xf32>,
      tpu.vector_store %arg5[%swap3A_311], %broadcast_in_dim3A_15 {strides = array<i32>} : memref<32768xf32, #tpu.memory_space<vmem>>, vector<16xf32>,
      %scan3A_313 = arith.constant 0 : i32
      scf.yield %scan3A_313 : i32
    }
    %scan3A_28 = arith.constant 64 : i32
    %dma_wait3A = arith.constant 0 : i32
    %dma_wait3A_29 = tpu.memref_slice %arg2[%add3A, %dma_wait3A] : memref<32x25600xi32, #tpu.memory_space<hbm>> -> memref<1x25600xi32, #tpu.memory_space<hbm>>
    %dma_wait3A_30 = tpu.memref_squeeze %dma_wait3A_29 : memref<1x25600xi32, #tpu.memory_space<hbm>> -> memref<25600xi32, #tpu.memory_space<hbm>>
    %dma_wait3A_31 = arith.constant 0 : i32
    %dma_wait3A_32 = tpu.memref_slice %arg2[%add3A, %dma_wait3A_31] : memref<32x25600xi32, #tpu.memory_space<hbm>> -> memref<1x25600xi32, #tpu.memory_space<hbm>>
    %dma_wait3A_33 = tpu.memref_squeeze %dma_wait3A_32 : memref<1x25600xi32, #tpu.memory_space<hbm>> -> memref<25600xi32, #tpu.memory_space<hbm>>
    tpu.wait_dma2 semaphore(%arg8 : memref<!tpu.dma_semaphore, #tpu.memory_space<semaphore_mem>>) src(%dma_wait3A_33 : memref<25600xi32, #tpu.memory_space<hbm>>) dst(%arg4 : memref<25600xi32, #tpu.memory_space<vmem>>)
    %add3A_34 = arith.constant 0 : i32
    %add3A_35 = vector.broadcast %add3A_34 : i32 to vector<16xi32>
    %add3A_36 = arith.addi %mul3A_10, %add3A_35 : vector<16xi32>
    %scan3A_37 = arith.constant 0 : i32
    %scan3A_38 = arith.constant 0 : i32
    %scan3A_39 = arith.constant 25 : i32
    %scan3A_40 = arith.addi %scan3A_38, %scan3A_39 : i32
    %scan3A_41 = arith.constant 1 : i32
    %scan3A_42 = scf.for %scan3A_152 = %scan3A_38 to %scan3A_40 step %scan3A_41 iter_args(%scan3A_153 = %scan3A_37) -> (i32)  : i32 {
      %mul3A_154 = arith.constant 8 : i32
      %mul3A_155 = arith.muli %scan3A_152, %mul3A_154 : i32
      %add3A_156 = arith.constant 0 : i32
      %add3A_157 = arith.addi %mul3A_155, %add3A_156 : i32
      %mul3A_158 = arith.constant 128 : i32
      %mul3A_159 = arith.muli %add3A_157, %mul3A_158 : i32
      %add3A_160 = arith.constant 0 : i32
      %add3A_161 = arith.addi %mul3A_159, %add3A_160 : i32
      %get3A = arith.index_cast %add3A_161 : i32 to index
      %get3A_162 = tpu.vector_load %arg4[%get3A] {strides = array<i32>} : memref<25600xi32, #tpu.memory_space<vmem>>, vector<16xi32>,
      %add3A_163 = arith.addi %add3A_36, %get3A_162 : vector<16xi32>
      tpu.vector_store_idx %arg5[%add3A_163], %broadcast_in_dim3A_11 {add = true} : memref<32768xf32, #tpu.memory_space<vmem>>[vector<16xi32>], vector<16xf32>,
      %add3A_164 = arith.constant 16 : i32
      %add3A_165 = arith.addi %add3A_161, %add3A_164 : i32
      %get3A_166 = arith.index_cast %add3A_165 : i32 to index
      %get3A_167 = tpu.vector_load %arg4[%get3A_166] {strides = array<i32>} : memref<25600xi32, #tpu.memory_space<vmem>>, vector<16xi32>,
      %add3A_168 = arith.addi %add3A_36, %get3A_167 : vector<16xi32>
      tpu.vector_store_idx %arg5[%add3A_168], %broadcast_in_dim3A_13 {add = true} : memref<32768xf32, #tpu.memory_space<vmem>>[vector<16xi32>], vector<16xf32>,
      %mul3A_169 = arith.constant 8 : i32
      %mul3A_170 = arith.muli %scan3A_152, %mul3A_169 : i32
      %add3A_171 = arith.constant 1 : i32
      %add3A_172 = arith.addi %mul3A_170, %add3A_171 : i32
      %mul3A_173 = arith.constant 128 : i32
      %mul3A_174 = arith.muli %add3A_172, %mul3A_173 : i32
      %add3A_175 = arith.constant 0 : i32
      %add3A_176 = arith.addi %mul3A_174, %add3A_175 : i32
      %get3A_177 = arith.index_cast %add3A_176 : i32 to index
      %get3A_178 = tpu.vector_load %arg4[%get3A_177] {strides = array<i32>} : memref<25600xi32, #tpu.memory_space<vmem>>, vector<16xi32>,
      %add3A_179 = arith.addi %add3A_36, %get3A_178 : vector<16xi32>
      tpu.vector_store_idx %arg5[%add3A_179], %broadcast_in_dim3A_11 {add = true} : memref<32768xf32, #tpu.memory_space<vmem>>[vector<16xi32>], vector<16xf32>,
      %add3A_180 = arith.constant 16 : i32
      %add3A_181 = arith.addi %add3A_176, %add3A_180 : i32
      %get3A_182 = arith.index_cast %add3A_181 : i32 to index
      %get3A_183 = tpu.vector_load %arg4[%get3A_182] {strides = array<i32>} : memref<25600xi32, #tpu.memory_space<vmem>>, vector<16xi32>,
      %add3A_184 = arith.addi %add3A_36, %get3A_183 : vector<16xi32>
      tpu.vector_store_idx %arg5[%add3A_184], %broadcast_in_dim3A_13 {add = true} : memref<32768xf32, #tpu.memory_space<vmem>>[vector<16xi32>], vector<16xf32>,
      %mul3A_185 = arith.constant 8 : i32
      %mul3A_186 = arith.muli %scan3A_152, %mul3A_185 : i32
      %add3A_187 = arith.constant 2 : i32
      %add3A_188 = arith.addi %mul3A_186, %add3A_187 : i32
      %mul3A_189 = arith.constant 128 : i32
      %mul3A_190 = arith.muli %add3A_188, %mul3A_189 : i32
      %add3A_191 = arith.constant 0 : i32
      %add3A_192 = arith.addi %mul3A_190, %add3A_191 : i32
      %get3A_193 = arith.index_cast %add3A_192 : i32 to index
      %get3A_194 = tpu.vector_load %arg4[%get3A_193] {strides = array<i32>} : memref<25600xi32, #tpu.memory_space<vmem>>, vector<16xi32>,
      %add3A_195 = arith.addi %add3A_36, %get3A_194 : vector<16xi32>
      tpu.vector_store_idx %arg5[%add3A_195], %broadcast_in_dim3A_11 {add = true} : memref<32768xf32, #tpu.memory_space<vmem>>[vector<16xi32>], vector<16xf32>,
      %add3A_196 = arith.constant 16 : i32
      %add3A_197 = arith.addi %add3A_192, %add3A_196 : i32
      %get3A_198 = arith.index_cast %add3A_197 : i32 to index
      %get3A_199 = tpu.vector_load %arg4[%get3A_198] {strides = array<i32>} : memref<25600xi32, #tpu.memory_space<vmem>>, vector<16xi32>,
      %add3A_200 = arith.addi %add3A_36, %get3A_199 : vector<16xi32>
      tpu.vector_store_idx %arg5[%add3A_200], %broadcast_in_dim3A_13 {add = true} : memref<32768xf32, #tpu.memory_space<vmem>>[vector<16xi32>], vector<16xf32>,
      %mul3A_201 = arith.constant 8 : i32
      %mul3A_202 = arith.muli %scan3A_152, %mul3A_201 : i32
      %add3A_203 = arith.constant 3 : i32
      %add3A_204 = arith.addi %mul3A_202, %add3A_203 : i32
      %mul3A_205 = arith.constant 128 : i32
      %mul3A_206 = arith.muli %add3A_204, %mul3A_205 : i32
      %add3A_207 = arith.constant 0 : i32
      %add3A_208 = arith.addi %mul3A_206, %add3A_207 : i32
      %get3A_209 = arith.index_cast %add3A_208 : i32 to index
      %get3A_210 = tpu.vector_load %arg4[%get3A_209] {strides = array<i32>} : memref<25600xi32, #tpu.memory_space<vmem>>, vector<16xi32>,
      %add3A_211 = arith.addi %add3A_36, %get3A_210 : vector<16xi32>
      tpu.vector_store_idx %arg5[%add3A_211], %broadcast_in_dim3A_11 {add = true} : memref<32768xf32, #tpu.memory_space<vmem>>[vector<16xi32>], vector<16xf32>,
      %add3A_212 = arith.constant 16 : i32
      %add3A_213 = arith.addi %add3A_208, %add3A_212 : i32
      %get3A_214 = arith.index_cast %add3A_213 : i32 to index
      %get3A_215 = tpu.vector_load %arg4[%get3A_214] {strides = array<i32>} : memref<25600xi32, #tpu.memory_space<vmem>>, vector<16xi32>,
      %add3A_216 = arith.addi %add3A_36, %get3A_215 : vector<16xi32>
      tpu.vector_store_idx %arg5[%add3A_216], %broadcast_in_dim3A_13 {add = true} : memref<32768xf32, #tpu.memory_space<vmem>>[vector<16xi32>], vector<16xf32>,
      %mul3A_217 = arith.constant 8 : i32
      %mul3A_218 = arith.muli %scan3A_152, %mul3A_217 : i32
      %add3A_219 = arith.constant 4 : i32
      %add3A_220 = arith.addi %mul3A_218, %add3A_219 : i32
      %mul3A_221 = arith.constant 128 : i32
      %mul3A_222 = arith.muli %add3A_220, %mul3A_221 : i32
      %add3A_223 = arith.constant 0 : i32
      %add3A_224 = arith.addi %mul3A_222, %add3A_223 : i32
      %get3A_225 = arith.index_cast %add3A_224 : i32 to index
      %get3A_226 = tpu.vector_load %arg4[%get3A_225] {strides = array<i32>} : memref<25600xi32, #tpu.memory_space<vmem>>, vector<16xi32>,
      %add3A_227 = arith.addi %add3A_36, %get3A_226 : vector<16xi32>
      tpu.vector_store_idx %arg5[%add3A_227], %broadcast_in_dim3A_11 {add = true} : memref<32768xf32, #tpu.memory_space<vmem>>[vector<16xi32>], vector<16xf32>,
      %add3A_228 = arith.constant 16 : i32
      %add3A_229 = arith.addi %add3A_224, %add3A_228 : i32
      %get3A_230 = arith.index_cast %add3A_229 : i32 to index
      %get3A_231 = tpu.vector_load %arg4[%get3A_230] {strides = array<i32>} : memref<25600xi32, #tpu.memory_space<vmem>>, vector<16xi32>,
      %add3A_232 = arith.addi %add3A_36, %get3A_231 : vector<16xi32>
      tpu.vector_store_idx %arg5[%add3A_232], %broadcast_in_dim3A_13 {add = true} : memref<32768xf32, #tpu.memory_space<vmem>>[vector<16xi32>], vector<16xf32>,
      %mul3A_233 = arith.constant 8 : i32
      %mul3A_234 = arith.muli %scan3A_152, %mul3A_233 : i32
      %add3A_235 = arith.constant 5 : i32
      %add3A_236 = arith.addi %mul3A_234, %add3A_235 : i32
      %mul3A_237 = arith.constant 128 : i32
      %mul3A_238 = arith.muli %add3A_236, %mul3A_237 : i32
      %add3A_239 = arith.constant 0 : i32
      %add3A_240 = arith.addi %mul3A_238, %add3A_239 : i32
      %get3A_241 = arith.index_cast %add3A_240 : i32 to index
      %get3A_242 = tpu.vector_load %arg4[%get3A_241] {strides = array<i32>} : memref<25600xi32, #tpu.memory_space<vmem>>, vector<16xi32>,
      %add3A_243 = arith.addi %add3A_36, %get3A_242 : vector<16xi32>
      tpu.vector_store_idx %arg5[%add3A_243], %broadcast_in_dim3A_11 {add = true} : memref<32768xf32, #tpu.memory_space<vmem>>[vector<16xi32>], vector<16xf32>,
      %add3A_244 = arith.constant 16 : i32
      %add3A_245 = arith.addi %add3A_240, %add3A_244 : i32
      %get3A_246 = arith.index_cast %add3A_245 : i32 to index
      %get3A_247 = tpu.vector_load %arg4[%get3A_246] {strides = array<i32>} : memref<25600xi32, #tpu.memory_space<vmem>>, vector<16xi32>,
      %add3A_248 = arith.addi %add3A_36, %get3A_247 : vector<16xi32>
      tpu.vector_store_idx %arg5[%add3A_248], %broadcast_in_dim3A_13 {add = true} : memref<32768xf32, #tpu.memory_space<vmem>>[vector<16xi32>], vector<16xf32>,
      %mul3A_249 = arith.constant 8 : i32
      %mul3A_250 = arith.muli %scan3A_152, %mul3A_249 : i32
      %add3A_251 = arith.constant 6 : i32
      %add3A_252 = arith.addi %mul3A_250, %add3A_251 : i32
      %mul3A_253 = arith.constant 128 : i32
      %mul3A_254 = arith.muli %add3A_252, %mul3A_253 : i32
      %add3A_255 = arith.constant 0 : i32
      %add3A_256 = arith.addi %mul3A_254, %add3A_255 : i32
      %get3A_257 = arith.index_cast %add3A_256 : i32 to index
      %get3A_258 = tpu.vector_load %arg4[%get3A_257] {strides = array<i32>} : memref<25600xi32, #tpu.memory_space<vmem>>, vector<16xi32>,
      %add3A_259 = arith.addi %add3A_36, %get3A_258 : vector<16xi32>
      tpu.vector_store_idx %arg5[%add3A_259], %broadcast_in_dim3A_11 {add = true} : memref<32768xf32, #tpu.memory_space<vmem>>[vector<16xi32>], vector<16xf32>,
      %add3A_260 = arith.constant 16 : i32
      %add3A_261 = arith.addi %add3A_256, %add3A_260 : i32
      %get3A_262 = arith.index_cast %add3A_261 : i32 to index
      %get3A_263 = tpu.vector_load %arg4[%get3A_262] {strides = array<i32>} : memref<25600xi32, #tpu.memory_space<vmem>>, vector<16xi32>,
      %add3A_264 = arith.addi %add3A_36, %get3A_263 : vector<16xi32>
      tpu.vector_store_idx %arg5[%add3A_264], %broadcast_in_dim3A_13 {add = true} : memref<32768xf32, #tpu.memory_space<vmem>>[vector<16xi32>], vector<16xf32>,
      %mul3A_265 = arith.constant 8 : i32
      %mul3A_266 = arith.muli %scan3A_152, %mul3A_265 : i32
      %add3A_267 = arith.constant 7 : i32
      %add3A_268 = arith.addi %mul3A_266, %add3A_267 : i32
      %mul3A_269 = arith.constant 128 : i32
      %mul3A_270 = arith.muli %add3A_268, %mul3A_269 : i32
      %add3A_271 = arith.constant 0 : i32
      %add3A_272 = arith.addi %mul3A_270, %add3A_271 : i32
      %get3A_273 = arith.index_cast %add3A_272 : i32 to index
      %get3A_274 = tpu.vector_load %arg4[%get3A_273] {strides = array<i32>} : memref<25600xi32, #tpu.memory_space<vmem>>, vector<16xi32>,
      %add3A_275 = arith.addi %add3A_36, %get3A_274 : vector<16xi32>
      tpu.vector_store_idx %arg5[%add3A_275], %broadcast_in_dim3A_11 {add = true} : memref<32768xf32, #tpu.memory_space<vmem>>[vector<16xi32>], vector<16xf32>,
      %add3A_276 = arith.constant 16 : i32
      %add3A_277 = arith.addi %add3A_272, %add3A_276 : i32
      %get3A_278 = arith.index_cast %add3A_277 : i32 to index
      %get3A_279 = tpu.vector_load %arg4[%get3A_278] {strides = array<i32>} : memref<25600xi32, #tpu.memory_space<vmem>>, vector<16xi32>,
      %add3A_280 = arith.addi %add3A_36, %get3A_279 : vector<16xi32>
      tpu.vector_store_idx %arg5[%add3A_280], %broadcast_in_dim3A_13 {add = true} : memref<32768xf32, #tpu.memory_space<vmem>>[vector<16xi32>], vector<16xf32>,
      %scan3A_281 = arith.constant 0 : i32
      scf.yield %scan3A_281 : i32
    }
    %scan3A_43 = arith.constant 25 : i32
    %add3A_44 = arith.constant 0 : i32
    %add3A_45 = arith.addi %mul3A_2, %add3A_44 : i32
    %mul3A_46 = arith.constant 1024 : i32
    %mul3A_47 = arith.muli %add3A_45, %mul3A_46 : i32
    %dma_start3A_48 = arith.constant 0 : i32
    %dma_start3A_49 = tpu.memref_slice %arg5[%dma_start3A_48] : memref<32768xf32, #tpu.memory_space<vmem>> -> memref<16384xf32, #tpu.memory_space<vmem>>
    %dma_start3A_50 = tpu.memref_slice %arg3[%mul3A_47] : memref<2097152xf32, #tpu.memory_space<hbm>> -> memref<16384xf32, #tpu.memory_space<hbm>>
    %dma_start3A_51 = tpu.memref_slice %arg3[%mul3A_47] : memref<2097152xf32, #tpu.memory_space<hbm>> -> memref<16384xf32, #tpu.memory_space<hbm>>
    %dma_start3A_52 = arith.constant 0 : i32
    %dma_start3A_53 = tpu.memref_slice %arg5[%dma_start3A_52] : memref<32768xf32, #tpu.memory_space<vmem>> -> memref<16384xf32, #tpu.memory_space<vmem>>
    tpu.enqueue_dma source(%dma_start3A_53 : memref<16384xf32, #tpu.memory_space<vmem>>) target(%dma_start3A_51 : memref<16384xf32, #tpu.memory_space<hbm>>) target_semaphore(%arg6 : memref<!tpu.dma_semaphore, #tpu.memory_space<semaphore_mem>>)
    %add3A_54 = arith.constant 16384 : i32
    %add3A_55 = vector.broadcast %add3A_54 : i32 to vector<16xi32>
    %add3A_56 = arith.addi %mul3A_10, %add3A_55 : vector<16xi32>
    %scan3A_57 = arith.constant 0 : i32
    %scan3A_58 = arith.constant 0 : i32
    %scan3A_59 = arith.constant 25 : i32
    %scan3A_60 = arith.addi %scan3A_58, %scan3A_59 : i32
    %scan3A_61 = arith.constant 1 : i32
    %scan3A_62 = scf.for %scan3A_152 = %scan3A_58 to %scan3A_60 step %scan3A_61 iter_args(%scan3A_153 = %scan3A_57) -> (i32)  : i32 {
      %mul3A_154 = arith.constant 8 : i32
      %mul3A_155 = arith.muli %scan3A_152, %mul3A_154 : i32
      %add3A_156 = arith.constant 0 : i32
      %add3A_157 = arith.addi %mul3A_155, %add3A_156 : i32
      %mul3A_158 = arith.constant 128 : i32
      %mul3A_159 = arith.muli %add3A_157, %mul3A_158 : i32
      %add3A_160 = arith.constant 32 : i32
      %add3A_161 = arith.addi %mul3A_159, %add3A_160 : i32
      %get3A = arith.index_cast %add3A_161 : i32 to index
      %get3A_162 = tpu.vector_load %arg4[%get3A] {strides = array<i32>} : memref<25600xi32, #tpu.memory_space<vmem>>, vector<16xi32>,
      %add3A_163 = arith.addi %add3A_56, %get3A_162 : vector<16xi32>
      tpu.vector_store_idx %arg5[%add3A_163], %broadcast_in_dim3A_11 {add = true} : memref<32768xf32, #tpu.memory_space<vmem>>[vector<16xi32>], vector<16xf32>,
      %add3A_164 = arith.constant 16 : i32
      %add3A_165 = arith.addi %add3A_161, %add3A_164 : i32
      %get3A_166 = arith.index_cast %add3A_165 : i32 to index
      %get3A_167 = tpu.vector_load %arg4[%get3A_166] {strides = array<i32>} : memref<25600xi32, #tpu.memory_space<vmem>>, vector<16xi32>,
      %add3A_168 = arith.addi %add3A_56, %get3A_167 : vector<16xi32>
      tpu.vector_store_idx %arg5[%add3A_168], %broadcast_in_dim3A_13 {add = true} : memref<32768xf32, #tpu.memory_space<vmem>>[vector<16xi32>], vector<16xf32>,
      %mul3A_169 = arith.constant 8 : i32
      %mul3A_170 = arith.muli %scan3A_152, %mul3A_169 : i32
      %add3A_171 = arith.constant 1 : i32
      %add3A_172 = arith.addi %mul3A_170, %add3A_171 : i32
      %mul3A_173 = arith.constant 128 : i32
      %mul3A_174 = arith.muli %add3A_172, %mul3A_173 : i32
      %add3A_175 = arith.constant 32 : i32
      %add3A_176 = arith.addi %mul3A_174, %add3A_175 : i32
      %get3A_177 = arith.index_cast %add3A_176 : i32 to index
      %get3A_178 = tpu.vector_load %arg4[%get3A_177] {strides = array<i32>} : memref<25600xi32, #tpu.memory_space<vmem>>, vector<16xi32>,
      %add3A_179 = arith.addi %add3A_56, %get3A_178 : vector<16xi32>
      tpu.vector_store_idx %arg5[%add3A_179], %broadcast_in_dim3A_11 {add = true} : memref<32768xf32, #tpu.memory_space<vmem>>[vector<16xi32>], vector<16xf32>,
      %add3A_180 = arith.constant 16 : i32
      %add3A_181 = arith.addi %add3A_176, %add3A_180 : i32
      %get3A_182 = arith.index_cast %add3A_181 : i32 to index
      %get3A_183 = tpu.vector_load %arg4[%get3A_182] {strides = array<i32>} : memref<25600xi32, #tpu.memory_space<vmem>>, vector<16xi32>,
      %add3A_184 = arith.addi %add3A_56, %get3A_183 : vector<16xi32>
      tpu.vector_store_idx %arg5[%add3A_184], %broadcast_in_dim3A_13 {add = true} : memref<32768xf32, #tpu.memory_space<vmem>>[vector<16xi32>], vector<16xf32>,
      %mul3A_185 = arith.constant 8 : i32
      %mul3A_186 = arith.muli %scan3A_152, %mul3A_185 : i32
      %add3A_187 = arith.constant 2 : i32
      %add3A_188 = arith.addi %mul3A_186, %add3A_187 : i32
      %mul3A_189 = arith.constant 128 : i32
      %mul3A_190 = arith.muli %add3A_188, %mul3A_189 : i32
      %add3A_191 = arith.constant 32 : i32
      %add3A_192 = arith.addi %mul3A_190, %add3A_191 : i32
      %get3A_193 = arith.index_cast %add3A_192 : i32 to index
      %get3A_194 = tpu.vector_load %arg4[%get3A_193] {strides = array<i32>} : memref<25600xi32, #tpu.memory_space<vmem>>, vector<16xi32>,
      %add3A_195 = arith.addi %add3A_56, %get3A_194 : vector<16xi32>
      tpu.vector_store_idx %arg5[%add3A_195], %broadcast_in_dim3A_11 {add = true} : memref<32768xf32, #tpu.memory_space<vmem>>[vector<16xi32>], vector<16xf32>,
      %add3A_196 = arith.constant 16 : i32
      %add3A_197 = arith.addi %add3A_192, %add3A_196 : i32
      %get3A_198 = arith.index_cast %add3A_197 : i32 to index
      %get3A_199 = tpu.vector_load %arg4[%get3A_198] {strides = array<i32>} : memref<25600xi32, #tpu.memory_space<vmem>>, vector<16xi32>,
      %add3A_200 = arith.addi %add3A_56, %get3A_199 : vector<16xi32>
      tpu.vector_store_idx %arg5[%add3A_200], %broadcast_in_dim3A_13 {add = true} : memref<32768xf32, #tpu.memory_space<vmem>>[vector<16xi32>], vector<16xf32>,
      %mul3A_201 = arith.constant 8 : i32
      %mul3A_202 = arith.muli %scan3A_152, %mul3A_201 : i32
      %add3A_203 = arith.constant 3 : i32
      %add3A_204 = arith.addi %mul3A_202, %add3A_203 : i32
      %mul3A_205 = arith.constant 128 : i32
      %mul3A_206 = arith.muli %add3A_204, %mul3A_205 : i32
      %add3A_207 = arith.constant 32 : i32
      %add3A_208 = arith.addi %mul3A_206, %add3A_207 : i32
      %get3A_209 = arith.index_cast %add3A_208 : i32 to index
      %get3A_210 = tpu.vector_load %arg4[%get3A_209] {strides = array<i32>} : memref<25600xi32, #tpu.memory_space<vmem>>, vector<16xi32>,
      %add3A_211 = arith.addi %add3A_56, %get3A_210 : vector<16xi32>
      tpu.vector_store_idx %arg5[%add3A_211], %broadcast_in_dim3A_11 {add = true} : memref<32768xf32, #tpu.memory_space<vmem>>[vector<16xi32>], vector<16xf32>,
      %add3A_212 = arith.constant 16 : i32
      %add3A_213 = arith.addi %add3A_208, %add3A_212 : i32
      %get3A_214 = arith.index_cast %add3A_213 : i32 to index
      %get3A_215 = tpu.vector_load %arg4[%get3A_214] {strides = array<i32>} : memref<25600xi32, #tpu.memory_space<vmem>>, vector<16xi32>,
      %add3A_216 = arith.addi %add3A_56, %get3A_215 : vector<16xi32>
      tpu.vector_store_idx %arg5[%add3A_216], %broadcast_in_dim3A_13 {add = true} : memref<32768xf32, #tpu.memory_space<vmem>>[vector<16xi32>], vector<16xf32>,
      %mul3A_217 = arith.constant 8 : i32
      %mul3A_218 = arith.muli %scan3A_152, %mul3A_217 : i32
      %add3A_219 = arith.constant 4 : i32
      %add3A_220 = arith.addi %mul3A_218, %add3A_219 : i32
      %mul3A_221 = arith.constant 128 : i32
      %mul3A_222 = arith.muli %add3A_220, %mul3A_221 : i32
      %add3A_223 = arith.constant 32 : i32
      %add3A_224 = arith.addi %mul3A_222, %add3A_223 : i32
      %get3A_225 = arith.index_cast %add3A_224 : i32 to index
      %get3A_226 = tpu.vector_load %arg4[%get3A_225] {strides = array<i32>} : memref<25600xi32, #tpu.memory_space<vmem>>, vector<16xi32>,
      %add3A_227 = arith.addi %add3A_56, %get3A_226 : vector<16xi32>
      tpu.vector_store_idx %arg5[%add3A_227], %broadcast_in_dim3A_11 {add = true} : memref<32768xf32, #tpu.memory_space<vmem>>[vector<16xi32>], vector<16xf32>,
      %add3A_228 = arith.constant 16 : i32
      %add3A_229 = arith.addi %add3A_224, %add3A_228 : i32
      %get3A_230 = arith.index_cast %add3A_229 : i32 to index
      %get3A_231 = tpu.vector_load %arg4[%get3A_230] {strides = array<i32>} : memref<25600xi32, #tpu.memory_space<vmem>>, vector<16xi32>,
      %add3A_232 = arith.addi %add3A_56, %get3A_231 : vector<16xi32>
      tpu.vector_store_idx %arg5[%add3A_232], %broadcast_in_dim3A_13 {add = true} : memref<32768xf32, #tpu.memory_space<vmem>>[vector<16xi32>], vector<16xf32>,
      %mul3A_233 = arith.constant 8 : i32
      %mul3A_234 = arith.muli %scan3A_152, %mul3A_233 : i32
      %add3A_235 = arith.constant 5 : i32
      %add3A_236 = arith.addi %mul3A_234, %add3A_235 : i32
      %mul3A_237 = arith.constant 128 : i32
      %mul3A_238 = arith.muli %add3A_236, %mul3A_237 : i32
      %add3A_239 = arith.constant 32 : i32
      %add3A_240 = arith.addi %mul3A_238, %add3A_239 : i32
      %get3A_241 = arith.index_cast %add3A_240 : i32 to index
      %get3A_242 = tpu.vector_load %arg4[%get3A_241] {strides = array<i32>} : memref<25600xi32, #tpu.memory_space<vmem>>, vector<16xi32>,
      %add3A_243 = arith.addi %add3A_56, %get3A_242 : vector<16xi32>
      tpu.vector_store_idx %arg5[%add3A_243], %broadcast_in_dim3A_11 {add = true} : memref<32768xf32, #tpu.memory_space<vmem>>[vector<16xi32>], vector<16xf32>,
      %add3A_244 = arith.constant 16 : i32
      %add3A_245 = arith.addi %add3A_240, %add3A_244 : i32
      %get3A_246 = arith.index_cast %add3A_245 : i32 to index
      %get3A_247 = tpu.vector_load %arg4[%get3A_246] {strides = array<i32>} : memref<25600xi32, #tpu.memory_space<vmem>>, vector<16xi32>,
      %add3A_248 = arith.addi %add3A_56, %get3A_247 : vector<16xi32>
      tpu.vector_store_idx %arg5[%add3A_248], %broadcast_in_dim3A_13 {add = true} : memref<32768xf32, #tpu.memory_space<vmem>>[vector<16xi32>], vector<16xf32>,
      %mul3A_249 = arith.constant 8 : i32
      %mul3A_250 = arith.muli %scan3A_152, %mul3A_249 : i32
      %add3A_251 = arith.constant 6 : i32
      %add3A_252 = arith.addi %mul3A_250, %add3A_251 : i32
      %mul3A_253 = arith.constant 128 : i32
      %mul3A_254 = arith.muli %add3A_252, %mul3A_253 : i32
      %add3A_255 = arith.constant 32 : i32
      %add3A_256 = arith.addi %mul3A_254, %add3A_255 : i32
      %get3A_257 = arith.index_cast %add3A_256 : i32 to index
      %get3A_258 = tpu.vector_load %arg4[%get3A_257] {strides = array<i32>} : memref<25600xi32, #tpu.memory_space<vmem>>, vector<16xi32>,
      %add3A_259 = arith.addi %add3A_56, %get3A_258 : vector<16xi32>
      tpu.vector_store_idx %arg5[%add3A_259], %broadcast_in_dim3A_11 {add = true} : memref<32768xf32, #tpu.memory_space<vmem>>[vector<16xi32>], vector<16xf32>,
      %add3A_260 = arith.constant 16 : i32
      %add3A_261 = arith.addi %add3A_256, %add3A_260 : i32
      %get3A_262 = arith.index_cast %add3A_261 : i32 to index
      %get3A_263 = tpu.vector_load %arg4[%get3A_262] {strides = array<i32>} : memref<25600xi32, #tpu.memory_space<vmem>>, vector<16xi32>,
      %add3A_264 = arith.addi %add3A_56, %get3A_263 : vector<16xi32>
      tpu.vector_store_idx %arg5[%add3A_264], %broadcast_in_dim3A_13 {add = true} : memref<32768xf32, #tpu.memory_space<vmem>>[vector<16xi32>], vector<16xf32>,
      %mul3A_265 = arith.constant 8 : i32
      %mul3A_266 = arith.muli %scan3A_152, %mul3A_265 : i32
      %add3A_267 = arith.constant 7 : i32
      %add3A_268 = arith.addi %mul3A_266, %add3A_267 : i32
      %mul3A_269 = arith.constant 128 : i32
      %mul3A_270 = arith.muli %add3A_268, %mul3A_269 : i32
      %add3A_271 = arith.constant 32 : i32
      %add3A_272 = arith.addi %mul3A_270, %add3A_271 : i32
      %get3A_273 = arith.index_cast %add3A_272 : i32 to index
      %get3A_274 = tpu.vector_load %arg4[%get3A_273] {strides = array<i32>} : memref<25600xi32, #tpu.memory_space<vmem>>, vector<16xi32>,
      %add3A_275 = arith.addi %add3A_56, %get3A_274 : vector<16xi32>
      tpu.vector_store_idx %arg5[%add3A_275], %broadcast_in_dim3A_11 {add = true} : memref<32768xf32, #tpu.memory_space<vmem>>[vector<16xi32>], vector<16xf32>,
      %add3A_276 = arith.constant 16 : i32
      %add3A_277 = arith.addi %add3A_272, %add3A_276 : i32
      %get3A_278 = arith.index_cast %add3A_277 : i32 to index
      %get3A_279 = tpu.vector_load %arg4[%get3A_278] {strides = array<i32>} : memref<25600xi32, #tpu.memory_space<vmem>>, vector<16xi32>,
      %add3A_280 = arith.addi %add3A_56, %get3A_279 : vector<16xi32>
      tpu.vector_store_idx %arg5[%add3A_280], %broadcast_in_dim3A_13 {add = true} : memref<32768xf32, #tpu.memory_space<vmem>>[vector<16xi32>], vector<16xf32>,
      %scan3A_281 = arith.constant 0 : i32
      scf.yield %scan3A_281 : i32
    }
    %scan3A_63 = arith.constant 25 : i32
    %add3A_64 = arith.constant 16 : i32
    %add3A_65 = arith.addi %mul3A_2, %add3A_64 : i32
    %mul3A_66 = arith.constant 1024 : i32
    %mul3A_67 = arith.muli %add3A_65, %mul3A_66 : i32
    %dma_start3A_68 = arith.constant 16384 : i32
    %dma_start3A_69 = tpu.memref_slice %arg5[%dma_start3A_68] : memref<32768xf32, #tpu.memory_space<vmem>> -> memref<16384xf32, #tpu.memory_space<vmem>>
    %dma_start3A_70 = tpu.memref_slice %arg3[%mul3A_67] : memref<2097152xf32, #tpu.memory_space<hbm>> -> memref<16384xf32, #tpu.memory_space<hbm>>
    %dma_start3A_71 = tpu.memref_slice %arg3[%mul3A_67] : memref<2097152xf32, #tpu.memory_space<hbm>> -> memref<16384xf32, #tpu.memory_space<hbm>>
    %dma_start3A_72 = arith.constant 16384 : i32
    %dma_start3A_73 = tpu.memref_slice %arg5[%dma_start3A_72] : memref<32768xf32, #tpu.memory_space<vmem>> -> memref<16384xf32, #tpu.memory_space<vmem>>
    tpu.enqueue_dma source(%dma_start3A_73 : memref<16384xf32, #tpu.memory_space<vmem>>) target(%dma_start3A_71 : memref<16384xf32, #tpu.memory_space<hbm>>) target_semaphore(%arg7 : memref<!tpu.dma_semaphore, #tpu.memory_space<semaphore_mem>>)
    %dma_wait3A_74 = arith.constant 0 : i32
    %dma_wait3A_75 = tpu.memref_slice %arg5[%dma_wait3A_74] : memref<32768xf32, #tpu.memory_space<vmem>> -> memref<16384xf32, #tpu.memory_space<vmem>>
    %dma_wait3A_76 = tpu.memref_slice %arg3[%mul3A_47] : memref<2097152xf32, #tpu.memory_space<hbm>> -> memref<16384xf32, #tpu.memory_space<hbm>>
    %dma_wait3A_77 = tpu.memref_slice %arg3[%mul3A_47] : memref<2097152xf32, #tpu.memory_space<hbm>> -> memref<16384xf32, #tpu.memory_space<hbm>>
    %dma_wait3A_78 = arith.constant 0 : i32
    %dma_wait3A_79 = tpu.memref_slice %arg5[%dma_wait3A_78] : memref<32768xf32, #tpu.memory_space<vmem>> -> memref<16384xf32, #tpu.memory_space<vmem>>
    tpu.wait_dma2 semaphore(%arg6 : memref<!tpu.dma_semaphore, #tpu.memory_space<semaphore_mem>>) src(%dma_wait3A_79 : memref<16384xf32, #tpu.memory_space<vmem>>) dst(%dma_wait3A_77 : memref<16384xf32, #tpu.memory_space<hbm>>)
    %add3A_80 = arith.constant 0 : i32
    %add3A_81 = vector.broadcast %add3A_80 : i32 to vector<16xi32>
    %add3A_82 = arith.addi %mul3A_10, %add3A_81 : vector<16xi32>
    %scan3A_83 = arith.constant 0 : i32
    %scan3A_84 = arith.constant 0 : i32
    %scan3A_85 = arith.constant 64 : i32
    %scan3A_86 = arith.addi %scan3A_84, %scan3A_85 : i32
    %scan3A_87 = arith.constant 1 : i32
    %scan3A_88 = scf.for %scan3A_152 = %scan3A_84 to %scan3A_86 step %scan3A_87 iter_args(%scan3A_153 = %scan3A_83) -> (i32)  : i32 {
      %mul3A_154 = arith.constant 16 : i32
      %mul3A_155 = arith.muli %scan3A_152, %mul3A_154 : i32
      %add3A_156 = arith.constant 0 : i32
      %add3A_157 = arith.addi %mul3A_155, %add3A_156 : i32
      %mul3A_158 = arith.constant 16 : i32
      %mul3A_159 = arith.muli %add3A_157, %mul3A_158 : i32
      %add3A_160 = arith.constant 0 : i32
      %add3A_161 = arith.addi %add3A_160, %mul3A_159 : i32
      %swap3A = arith.index_cast %add3A_161 : i32 to index
      %swap3A_162 = tpu.vector_load %arg5[%swap3A] {strides = array<i32>} : memref<32768xf32, #tpu.memory_space<vmem>>, vector<16xf32>,
      tpu.vector_store %arg5[%swap3A], %broadcast_in_dim3A_15 {strides = array<i32>} : memref<32768xf32, #tpu.memory_space<vmem>>, vector<16xf32>,
      %mul3A_163 = arith.constant 16 : i32
      %mul3A_164 = arith.muli %scan3A_152, %mul3A_163 : i32
      %add3A_165 = arith.constant 1 : i32
      %add3A_166 = arith.addi %mul3A_164, %add3A_165 : i32
      %mul3A_167 = arith.constant 16 : i32
      %mul3A_168 = arith.muli %add3A_166, %mul3A_167 : i32
      %add3A_169 = arith.constant 0 : i32
      %add3A_170 = arith.addi %add3A_169, %mul3A_168 : i32
      %swap3A_171 = arith.index_cast %add3A_170 : i32 to index
      %swap3A_172 = tpu.vector_load %arg5[%swap3A_171] {strides = array<i32>} : memref<32768xf32, #tpu.memory_space<vmem>>, vector<16xf32>,
      tpu.vector_store %arg5[%swap3A_171], %broadcast_in_dim3A_15 {strides = array<i32>} : memref<32768xf32, #tpu.memory_space<vmem>>, vector<16xf32>,
      %mul3A_173 = arith.constant 16 : i32
      %mul3A_174 = arith.muli %scan3A_152, %mul3A_173 : i32
      %add3A_175 = arith.constant 2 : i32
      %add3A_176 = arith.addi %mul3A_174, %add3A_175 : i32
      %mul3A_177 = arith.constant 16 : i32
      %mul3A_178 = arith.muli %add3A_176, %mul3A_177 : i32
      %add3A_179 = arith.constant 0 : i32
      %add3A_180 = arith.addi %add3A_179, %mul3A_178 : i32
      %swap3A_181 = arith.index_cast %add3A_180 : i32 to index
      %swap3A_182 = tpu.vector_load %arg5[%swap3A_181] {strides = array<i32>} : memref<32768xf32, #tpu.memory_space<vmem>>, vector<16xf32>,
      tpu.vector_store %arg5[%swap3A_181], %broadcast_in_dim3A_15 {strides = array<i32>} : memref<32768xf32, #tpu.memory_space<vmem>>, vector<16xf32>,
      %mul3A_183 = arith.constant 16 : i32
      %mul3A_184 = arith.muli %scan3A_152, %mul3A_183 : i32
      %add3A_185 = arith.constant 3 : i32
      %add3A_186 = arith.addi %mul3A_184, %add3A_185 : i32
      %mul3A_187 = arith.constant 16 : i32
      %mul3A_188 = arith.muli %add3A_186, %mul3A_187 : i32
      %add3A_189 = arith.constant 0 : i32
      %add3A_190 = arith.addi %add3A_189, %mul3A_188 : i32
      %swap3A_191 = arith.index_cast %add3A_190 : i32 to index
      %swap3A_192 = tpu.vector_load %arg5[%swap3A_191] {strides = array<i32>} : memref<32768xf32, #tpu.memory_space<vmem>>, vector<16xf32>,
      tpu.vector_store %arg5[%swap3A_191], %broadcast_in_dim3A_15 {strides = array<i32>} : memref<32768xf32, #tpu.memory_space<vmem>>, vector<16xf32>,
      %mul3A_193 = arith.constant 16 : i32
      %mul3A_194 = arith.muli %scan3A_152, %mul3A_193 : i32
      %add3A_195 = arith.constant 4 : i32
      %add3A_196 = arith.addi %mul3A_194, %add3A_195 : i32
      %mul3A_197 = arith.constant 16 : i32
      %mul3A_198 = arith.muli %add3A_196, %mul3A_197 : i32
      %add3A_199 = arith.constant 0 : i32
      %add3A_200 = arith.addi %add3A_199, %mul3A_198 : i32
      %swap3A_201 = arith.index_cast %add3A_200 : i32 to index
      %swap3A_202 = tpu.vector_load %arg5[%swap3A_201] {strides = array<i32>} : memref<32768xf32, #tpu.memory_space<vmem>>, vector<16xf32>,
      tpu.vector_store %arg5[%swap3A_201], %broadcast_in_dim3A_15 {strides = array<i32>} : memref<32768xf32, #tpu.memory_space<vmem>>, vector<16xf32>,
      %mul3A_203 = arith.constant 16 : i32
      %mul3A_204 = arith.muli %scan3A_152, %mul3A_203 : i32
      %add3A_205 = arith.constant 5 : i32
      %add3A_206 = arith.addi %mul3A_204, %add3A_205 : i32
      %mul3A_207 = arith.constant 16 : i32
      %mul3A_208 = arith.muli %add3A_206, %mul3A_207 : i32
      %add3A_209 = arith.constant 0 : i32
      %add3A_210 = arith.addi %add3A_209, %mul3A_208 : i32
      %swap3A_211 = arith.index_cast %add3A_210 : i32 to index
      %swap3A_212 = tpu.vector_load %arg5[%swap3A_211] {strides = array<i32>} : memref<32768xf32, #tpu.memory_space<vmem>>, vector<16xf32>,
      tpu.vector_store %arg5[%swap3A_211], %broadcast_in_dim3A_15 {strides = array<i32>} : memref<32768xf32, #tpu.memory_space<vmem>>, vector<16xf32>,
      %mul3A_213 = arith.constant 16 : i32
      %mul3A_214 = arith.muli %scan3A_152, %mul3A_213 : i32
      %add3A_215 = arith.constant 6 : i32
      %add3A_216 = arith.addi %mul3A_214, %add3A_215 : i32
      %mul3A_217 = arith.constant 16 : i32
      %mul3A_218 = arith.muli %add3A_216, %mul3A_217 : i32
      %add3A_219 = arith.constant 0 : i32
      %add3A_220 = arith.addi %add3A_219, %mul3A_218 : i32
      %swap3A_221 = arith.index_cast %add3A_220 : i32 to index
      %swap3A_222 = tpu.vector_load %arg5[%swap3A_221] {strides = array<i32>} : memref<32768xf32, #tpu.memory_space<vmem>>, vector<16xf32>,
      tpu.vector_store %arg5[%swap3A_221], %broadcast_in_dim3A_15 {strides = array<i32>} : memref<32768xf32, #tpu.memory_space<vmem>>, vector<16xf32>,
      %mul3A_223 = arith.constant 16 : i32
      %mul3A_224 = arith.muli %scan3A_152, %mul3A_223 : i32
      %add3A_225 = arith.constant 7 : i32
      %add3A_226 = arith.addi %mul3A_224, %add3A_225 : i32
      %mul3A_227 = arith.constant 16 : i32
      %mul3A_228 = arith.muli %add3A_226, %mul3A_227 : i32
      %add3A_229 = arith.constant 0 : i32
      %add3A_230 = arith.addi %add3A_229, %mul3A_228 : i32
      %swap3A_231 = arith.index_cast %add3A_230 : i32 to index
      %swap3A_232 = tpu.vector_load %arg5[%swap3A_231] {strides = array<i32>} : memref<32768xf32, #tpu.memory_space<vmem>>, vector<16xf32>,
      tpu.vector_store %arg5[%swap3A_231], %broadcast_in_dim3A_15 {strides = array<i32>} : memref<32768xf32, #tpu.memory_space<vmem>>, vector<16xf32>,
      %mul3A_233 = arith.constant 16 : i32
      %mul3A_234 = arith.muli %scan3A_152, %mul3A_233 : i32
      %add3A_235 = arith.constant 8 : i32
      %add3A_236 = arith.addi %mul3A_234, %add3A_235 : i32
      %mul3A_237 = arith.constant 16 : i32
      %mul3A_238 = arith.muli %add3A_236, %mul3A_237 : i32
      %add3A_239 = arith.constant 0 : i32
      %add3A_240 = arith.addi %add3A_239, %mul3A_238 : i32
      %swap3A_241 = arith.index_cast %add3A_240 : i32 to index
      %swap3A_242 = tpu.vector_load %arg5[%swap3A_241] {strides = array<i32>} : memref<32768xf32, #tpu.memory_space<vmem>>, vector<16xf32>,
      tpu.vector_store %arg5[%swap3A_241], %broadcast_in_dim3A_15 {strides = array<i32>} : memref<32768xf32, #tpu.memory_space<vmem>>, vector<16xf32>,
      %mul3A_243 = arith.constant 16 : i32
      %mul3A_244 = arith.muli %scan3A_152, %mul3A_243 : i32
      %add3A_245 = arith.constant 9 : i32
      %add3A_246 = arith.addi %mul3A_244, %add3A_245 : i32
      %mul3A_247 = arith.constant 16 : i32
      %mul3A_248 = arith.muli %add3A_246, %mul3A_247 : i32
      %add3A_249 = arith.constant 0 : i32
      %add3A_250 = arith.addi %add3A_249, %mul3A_248 : i32
      %swap3A_251 = arith.index_cast %add3A_250 : i32 to index
      %swap3A_252 = tpu.vector_load %arg5[%swap3A_251] {strides = array<i32>} : memref<32768xf32, #tpu.memory_space<vmem>>, vector<16xf32>,
      tpu.vector_store %arg5[%swap3A_251], %broadcast_in_dim3A_15 {strides = array<i32>} : memref<32768xf32, #tpu.memory_space<vmem>>, vector<16xf32>,
      %mul3A_253 = arith.constant 16 : i32
      %mul3A_254 = arith.muli %scan3A_152, %mul3A_253 : i32
      %add3A_255 = arith.constant 10 : i32
      %add3A_256 = arith.addi %mul3A_254, %add3A_255 : i32
      %mul3A_257 = arith.constant 16 : i32
      %mul3A_258 = arith.muli %add3A_256, %mul3A_257 : i32
      %add3A_259 = arith.constant 0 : i32
      %add3A_260 = arith.addi %add3A_259, %mul3A_258 : i32
      %swap3A_261 = arith.index_cast %add3A_260 : i32 to index
      %swap3A_262 = tpu.vector_load %arg5[%swap3A_261] {strides = array<i32>} : memref<32768xf32, #tpu.memory_space<vmem>>, vector<16xf32>,
      tpu.vector_store %arg5[%swap3A_261], %broadcast_in_dim3A_15 {strides = array<i32>} : memref<32768xf32, #tpu.memory_space<vmem>>, vector<16xf32>,
      %mul3A_263 = arith.constant 16 : i32
      %mul3A_264 = arith.muli %scan3A_152, %mul3A_263 : i32
      %add3A_265 = arith.constant 11 : i32
      %add3A_266 = arith.addi %mul3A_264, %add3A_265 : i32
      %mul3A_267 = arith.constant 16 : i32
      %mul3A_268 = arith.muli %add3A_266, %mul3A_267 : i32
      %add3A_269 = arith.constant 0 : i32
      %add3A_270 = arith.addi %add3A_269, %mul3A_268 : i32
      %swap3A_271 = arith.index_cast %add3A_270 : i32 to index
      %swap3A_272 = tpu.vector_load %arg5[%swap3A_271] {strides = array<i32>} : memref<32768xf32, #tpu.memory_space<vmem>>, vector<16xf32>,
      tpu.vector_store %arg5[%swap3A_271], %broadcast_in_dim3A_15 {strides = array<i32>} : memref<32768xf32, #tpu.memory_space<vmem>>, vector<16xf32>,
      %mul3A_273 = arith.constant 16 : i32
      %mul3A_274 = arith.muli %scan3A_152, %mul3A_273 : i32
      %add3A_275 = arith.constant 12 : i32
      %add3A_276 = arith.addi %mul3A_274, %add3A_275 : i32
      %mul3A_277 = arith.constant 16 : i32
      %mul3A_278 = arith.muli %add3A_276, %mul3A_277 : i32
      %add3A_279 = arith.constant 0 : i32
      %add3A_280 = arith.addi %add3A_279, %mul3A_278 : i32
      %swap3A_281 = arith.index_cast %add3A_280 : i32 to index
      %swap3A_282 = tpu.vector_load %arg5[%swap3A_281] {strides = array<i32>} : memref<32768xf32, #tpu.memory_space<vmem>>, vector<16xf32>,
      tpu.vector_store %arg5[%swap3A_281], %broadcast_in_dim3A_15 {strides = array<i32>} : memref<32768xf32, #tpu.memory_space<vmem>>, vector<16xf32>,
      %mul3A_283 = arith.constant 16 : i32
      %mul3A_284 = arith.muli %scan3A_152, %mul3A_283 : i32
      %add3A_285 = arith.constant 13 : i32
      %add3A_286 = arith.addi %mul3A_284, %add3A_285 : i32
      %mul3A_287 = arith.constant 16 : i32
      %mul3A_288 = arith.muli %add3A_286, %mul3A_287 : i32
      %add3A_289 = arith.constant 0 : i32
      %add3A_290 = arith.addi %add3A_289, %mul3A_288 : i32
      %swap3A_291 = arith.index_cast %add3A_290 : i32 to index
      %swap3A_292 = tpu.vector_load %arg5[%swap3A_291] {strides = array<i32>} : memref<32768xf32, #tpu.memory_space<vmem>>, vector<16xf32>,
      tpu.vector_store %arg5[%swap3A_291], %broadcast_in_dim3A_15 {strides = array<i32>} : memref<32768xf32, #tpu.memory_space<vmem>>, vector<16xf32>,
      %mul3A_293 = arith.constant 16 : i32
      %mul3A_294 = arith.muli %scan3A_152, %mul3A_293 : i32
      %add3A_295 = arith.constant 14 : i32
      %add3A_296 = arith.addi %mul3A_294, %add3A_295 : i32
      %mul3A_297 = arith.constant 16 : i32
      %mul3A_298 = arith.muli %add3A_296, %mul3A_297 : i32
      %add3A_299 = arith.constant 0 : i32
      %add3A_300 = arith.addi %add3A_299, %mul3A_298 : i32
      %swap3A_301 = arith.index_cast %add3A_300 : i32 to index
      %swap3A_302 = tpu.vector_load %arg5[%swap3A_301] {strides = array<i32>} : memref<32768xf32, #tpu.memory_space<vmem>>, vector<16xf32>,
      tpu.vector_store %arg5[%swap3A_301], %broadcast_in_dim3A_15 {strides = array<i32>} : memref<32768xf32, #tpu.memory_space<vmem>>, vector<16xf32>,
      %mul3A_303 = arith.constant 16 : i32
      %mul3A_304 = arith.muli %scan3A_152, %mul3A_303 : i32
      %add3A_305 = arith.constant 15 : i32
      %add3A_306 = arith.addi %mul3A_304, %add3A_305 : i32
      %mul3A_307 = arith.constant 16 : i32
      %mul3A_308 = arith.muli %add3A_306, %mul3A_307 : i32
      %add3A_309 = arith.constant 0 : i32
      %add3A_310 = arith.addi %add3A_309, %mul3A_308 : i32
      %swap3A_311 = arith.index_cast %add3A_310 : i32 to index
      %swap3A_312 = tpu.vector_load %arg5[%swap3A_311] {strides = array<i32>} : memref<32768xf32, #tpu.memory_space<vmem>>, vector<16xf32>,
      tpu.vector_store %arg5[%swap3A_311], %broadcast_in_dim3A_15 {strides = array<i32>} : memref<32768xf32, #tpu.memory_space<vmem>>, vector<16xf32>,
      %scan3A_313 = arith.constant 0 : i32
      scf.yield %scan3A_313 : i32
    }
    %scan3A_89 = arith.constant 64 : i32
    %scan3A_90 = arith.constant 0 : i32
    %scan3A_91 = arith.constant 0 : i32
    %scan3A_92 = arith.constant 25 : i32
    %scan3A_93 = arith.addi %scan3A_91, %scan3A_92 : i32
    %scan3A_94 = arith.constant 1 : i32
    %scan3A_95 = scf.for %scan3A_152 = %scan3A_91 to %scan3A_93 step %scan3A_94 iter_args(%scan3A_153 = %scan3A_90) -> (i32)  : i32 {
      %mul3A_154 = arith.constant 8 : i32
      %mul3A_155 = arith.muli %scan3A_152, %mul3A_154 : i32
      %add3A_156 = arith.constant 0 : i32
      %add3A_157 = arith.addi %mul3A_155, %add3A_156 : i32
      %mul3A_158 = arith.constant 128 : i32
      %mul3A_159 = arith.muli %add3A_157, %mul3A_158 : i32
      %add3A_160 = arith.constant 64 : i32
      %add3A_161 = arith.addi %mul3A_159, %add3A_160 : i32
      %get3A = arith.index_cast %add3A_161 : i32 to index
      %get3A_162 = tpu.vector_load %arg4[%get3A] {strides = array<i32>} : memref<25600xi32, #tpu.memory_space<vmem>>, vector<16xi32>,
      %add3A_163 = arith.addi %add3A_82, %get3A_162 : vector<16xi32>
      tpu.vector_store_idx %arg5[%add3A_163], %broadcast_in_dim3A_11 {add = true} : memref<32768xf32, #tpu.memory_space<vmem>>[vector<16xi32>], vector<16xf32>,
      %add3A_164 = arith.constant 16 : i32
      %add3A_165 = arith.addi %add3A_161, %add3A_164 : i32
      %get3A_166 = arith.index_cast %add3A_165 : i32 to index
      %get3A_167 = tpu.vector_load %arg4[%get3A_166] {strides = array<i32>} : memref<25600xi32, #tpu.memory_space<vmem>>, vector<16xi32>,
      %add3A_168 = arith.addi %add3A_82, %get3A_167 : vector<16xi32>
      tpu.vector_store_idx %arg5[%add3A_168], %broadcast_in_dim3A_13 {add = true} : memref<32768xf32, #tpu.memory_space<vmem>>[vector<16xi32>], vector<16xf32>,
      %mul3A_169 = arith.constant 8 : i32
      %mul3A_170 = arith.muli %scan3A_152, %mul3A_169 : i32
      %add3A_171 = arith.constant 1 : i32
      %add3A_172 = arith.addi %mul3A_170, %add3A_171 : i32
      %mul3A_173 = arith.constant 128 : i32
      %mul3A_174 = arith.muli %add3A_172, %mul3A_173 : i32
      %add3A_175 = arith.constant 64 : i32
      %add3A_176 = arith.addi %mul3A_174, %add3A_175 : i32
      %get3A_177 = arith.index_cast %add3A_176 : i32 to index
      %get3A_178 = tpu.vector_load %arg4[%get3A_177] {strides = array<i32>} : memref<25600xi32, #tpu.memory_space<vmem>>, vector<16xi32>,
      %add3A_179 = arith.addi %add3A_82, %get3A_178 : vector<16xi32>
      tpu.vector_store_idx %arg5[%add3A_179], %broadcast_in_dim3A_11 {add = true} : memref<32768xf32, #tpu.memory_space<vmem>>[vector<16xi32>], vector<16xf32>,
      %add3A_180 = arith.constant 16 : i32
      %add3A_181 = arith.addi %add3A_176, %add3A_180 : i32
      %get3A_182 = arith.index_cast %add3A_181 : i32 to index
      %get3A_183 = tpu.vector_load %arg4[%get3A_182] {strides = array<i32>} : memref<25600xi32, #tpu.memory_space<vmem>>, vector<16xi32>,
      %add3A_184 = arith.addi %add3A_82, %get3A_183 : vector<16xi32>
      tpu.vector_store_idx %arg5[%add3A_184], %broadcast_in_dim3A_13 {add = true} : memref<32768xf32, #tpu.memory_space<vmem>>[vector<16xi32>], vector<16xf32>,
      %mul3A_185 = arith.constant 8 : i32
      %mul3A_186 = arith.muli %scan3A_152, %mul3A_185 : i32
      %add3A_187 = arith.constant 2 : i32
      %add3A_188 = arith.addi %mul3A_186, %add3A_187 : i32
      %mul3A_189 = arith.constant 128 : i32
      %mul3A_190 = arith.muli %add3A_188, %mul3A_189 : i32
      %add3A_191 = arith.constant 64 : i32
      %add3A_192 = arith.addi %mul3A_190, %add3A_191 : i32
      %get3A_193 = arith.index_cast %add3A_192 : i32 to index
      %get3A_194 = tpu.vector_load %arg4[%get3A_193] {strides = array<i32>} : memref<25600xi32, #tpu.memory_space<vmem>>, vector<16xi32>,
      %add3A_195 = arith.addi %add3A_82, %get3A_194 : vector<16xi32>
      tpu.vector_store_idx %arg5[%add3A_195], %broadcast_in_dim3A_11 {add = true} : memref<32768xf32, #tpu.memory_space<vmem>>[vector<16xi32>], vector<16xf32>,
      %add3A_196 = arith.constant 16 : i32
      %add3A_197 = arith.addi %add3A_192, %add3A_196 : i32
      %get3A_198 = arith.index_cast %add3A_197 : i32 to index
      %get3A_199 = tpu.vector_load %arg4[%get3A_198] {strides = array<i32>} : memref<25600xi32, #tpu.memory_space<vmem>>, vector<16xi32>,
      %add3A_200 = arith.addi %add3A_82, %get3A_199 : vector<16xi32>
      tpu.vector_store_idx %arg5[%add3A_200], %broadcast_in_dim3A_13 {add = true} : memref<32768xf32, #tpu.memory_space<vmem>>[vector<16xi32>], vector<16xf32>,
      %mul3A_201 = arith.constant 8 : i32
      %mul3A_202 = arith.muli %scan3A_152, %mul3A_201 : i32
      %add3A_203 = arith.constant 3 : i32
      %add3A_204 = arith.addi %mul3A_202, %add3A_203 : i32
      %mul3A_205 = arith.constant 128 : i32
      %mul3A_206 = arith.muli %add3A_204, %mul3A_205 : i32
      %add3A_207 = arith.constant 64 : i32
      %add3A_208 = arith.addi %mul3A_206, %add3A_207 : i32
      %get3A_209 = arith.index_cast %add3A_208 : i32 to index
      %get3A_210 = tpu.vector_load %arg4[%get3A_209] {strides = array<i32>} : memref<25600xi32, #tpu.memory_space<vmem>>, vector<16xi32>,
      %add3A_211 = arith.addi %add3A_82, %get3A_210 : vector<16xi32>
      tpu.vector_store_idx %arg5[%add3A_211], %broadcast_in_dim3A_11 {add = true} : memref<32768xf32, #tpu.memory_space<vmem>>[vector<16xi32>], vector<16xf32>,
      %add3A_212 = arith.constant 16 : i32
      %add3A_213 = arith.addi %add3A_208, %add3A_212 : i32
      %get3A_214 = arith.index_cast %add3A_213 : i32 to index
      %get3A_215 = tpu.vector_load %arg4[%get3A_214] {strides = array<i32>} : memref<25600xi32, #tpu.memory_space<vmem>>, vector<16xi32>,
      %add3A_216 = arith.addi %add3A_82, %get3A_215 : vector<16xi32>
      tpu.vector_store_idx %arg5[%add3A_216], %broadcast_in_dim3A_13 {add = true} : memref<32768xf32, #tpu.memory_space<vmem>>[vector<16xi32>], vector<16xf32>,
      %mul3A_217 = arith.constant 8 : i32
      %mul3A_218 = arith.muli %scan3A_152, %mul3A_217 : i32
      %add3A_219 = arith.constant 4 : i32
      %add3A_220 = arith.addi %mul3A_218, %add3A_219 : i32
      %mul3A_221 = arith.constant 128 : i32
      %mul3A_222 = arith.muli %add3A_220, %mul3A_221 : i32
      %add3A_223 = arith.constant 64 : i32
      %add3A_224 = arith.addi %mul3A_222, %add3A_223 : i32
      %get3A_225 = arith.index_cast %add3A_224 : i32 to index
      %get3A_226 = tpu.vector_load %arg4[%get3A_225] {strides = array<i32>} : memref<25600xi32, #tpu.memory_space<vmem>>, vector<16xi32>,
      %add3A_227 = arith.addi %add3A_82, %get3A_226 : vector<16xi32>
      tpu.vector_store_idx %arg5[%add3A_227], %broadcast_in_dim3A_11 {add = true} : memref<32768xf32, #tpu.memory_space<vmem>>[vector<16xi32>], vector<16xf32>,
      %add3A_228 = arith.constant 16 : i32
      %add3A_229 = arith.addi %add3A_224, %add3A_228 : i32
      %get3A_230 = arith.index_cast %add3A_229 : i32 to index
      %get3A_231 = tpu.vector_load %arg4[%get3A_230] {strides = array<i32>} : memref<25600xi32, #tpu.memory_space<vmem>>, vector<16xi32>,
      %add3A_232 = arith.addi %add3A_82, %get3A_231 : vector<16xi32>
      tpu.vector_store_idx %arg5[%add3A_232], %broadcast_in_dim3A_13 {add = true} : memref<32768xf32, #tpu.memory_space<vmem>>[vector<16xi32>], vector<16xf32>,
      %mul3A_233 = arith.constant 8 : i32
      %mul3A_234 = arith.muli %scan3A_152, %mul3A_233 : i32
      %add3A_235 = arith.constant 5 : i32
      %add3A_236 = arith.addi %mul3A_234, %add3A_235 : i32
      %mul3A_237 = arith.constant 128 : i32
      %mul3A_238 = arith.muli %add3A_236, %mul3A_237 : i32
      %add3A_239 = arith.constant 64 : i32
      %add3A_240 = arith.addi %mul3A_238, %add3A_239 : i32
      %get3A_241 = arith.index_cast %add3A_240 : i32 to index
      %get3A_242 = tpu.vector_load %arg4[%get3A_241] {strides = array<i32>} : memref<25600xi32, #tpu.memory_space<vmem>>, vector<16xi32>,
      %add3A_243 = arith.addi %add3A_82, %get3A_242 : vector<16xi32>
      tpu.vector_store_idx %arg5[%add3A_243], %broadcast_in_dim3A_11 {add = true} : memref<32768xf32, #tpu.memory_space<vmem>>[vector<16xi32>], vector<16xf32>,
      %add3A_244 = arith.constant 16 : i32
      %add3A_245 = arith.addi %add3A_240, %add3A_244 : i32
      %get3A_246 = arith.index_cast %add3A_245 : i32 to index
      %get3A_247 = tpu.vector_load %arg4[%get3A_246] {strides = array<i32>} : memref<25600xi32, #tpu.memory_space<vmem>>, vector<16xi32>,
      %add3A_248 = arith.addi %add3A_82, %get3A_247 : vector<16xi32>
      tpu.vector_store_idx %arg5[%add3A_248], %broadcast_in_dim3A_13 {add = true} : memref<32768xf32, #tpu.memory_space<vmem>>[vector<16xi32>], vector<16xf32>,
      %mul3A_249 = arith.constant 8 : i32
      %mul3A_250 = arith.muli %scan3A_152, %mul3A_249 : i32
      %add3A_251 = arith.constant 6 : i32
      %add3A_252 = arith.addi %mul3A_250, %add3A_251 : i32
      %mul3A_253 = arith.constant 128 : i32
      %mul3A_254 = arith.muli %add3A_252, %mul3A_253 : i32
      %add3A_255 = arith.constant 64 : i32
      %add3A_256 = arith.addi %mul3A_254, %add3A_255 : i32
      %get3A_257 = arith.index_cast %add3A_256 : i32 to index
      %get3A_258 = tpu.vector_load %arg4[%get3A_257] {strides = array<i32>} : memref<25600xi32, #tpu.memory_space<vmem>>, vector<16xi32>,
      %add3A_259 = arith.addi %add3A_82, %get3A_258 : vector<16xi32>
      tpu.vector_store_idx %arg5[%add3A_259], %broadcast_in_dim3A_11 {add = true} : memref<32768xf32, #tpu.memory_space<vmem>>[vector<16xi32>], vector<16xf32>,
      %add3A_260 = arith.constant 16 : i32
      %add3A_261 = arith.addi %add3A_256, %add3A_260 : i32
      %get3A_262 = arith.index_cast %add3A_261 : i32 to index
      %get3A_263 = tpu.vector_load %arg4[%get3A_262] {strides = array<i32>} : memref<25600xi32, #tpu.memory_space<vmem>>, vector<16xi32>,
      %add3A_264 = arith.addi %add3A_82, %get3A_263 : vector<16xi32>
      tpu.vector_store_idx %arg5[%add3A_264], %broadcast_in_dim3A_13 {add = true} : memref<32768xf32, #tpu.memory_space<vmem>>[vector<16xi32>], vector<16xf32>,
      %mul3A_265 = arith.constant 8 : i32
      %mul3A_266 = arith.muli %scan3A_152, %mul3A_265 : i32
      %add3A_267 = arith.constant 7 : i32
      %add3A_268 = arith.addi %mul3A_266, %add3A_267 : i32
      %mul3A_269 = arith.constant 128 : i32
      %mul3A_270 = arith.muli %add3A_268, %mul3A_269 : i32
      %add3A_271 = arith.constant 64 : i32
      %add3A_272 = arith.addi %mul3A_270, %add3A_271 : i32
      %get3A_273 = arith.index_cast %add3A_272 : i32 to index
      %get3A_274 = tpu.vector_load %arg4[%get3A_273] {strides = array<i32>} : memref<25600xi32, #tpu.memory_space<vmem>>, vector<16xi32>,
      %add3A_275 = arith.addi %add3A_82, %get3A_274 : vector<16xi32>
      tpu.vector_store_idx %arg5[%add3A_275], %broadcast_in_dim3A_11 {add = true} : memref<32768xf32, #tpu.memory_space<vmem>>[vector<16xi32>], vector<16xf32>,
      %add3A_276 = arith.constant 16 : i32
      %add3A_277 = arith.addi %add3A_272, %add3A_276 : i32
      %get3A_278 = arith.index_cast %add3A_277 : i32 to index
      %get3A_279 = tpu.vector_load %arg4[%get3A_278] {strides = array<i32>} : memref<25600xi32, #tpu.memory_space<vmem>>, vector<16xi32>,
      %add3A_280 = arith.addi %add3A_82, %get3A_279 : vector<16xi32>
      tpu.vector_store_idx %arg5[%add3A_280], %broadcast_in_dim3A_13 {add = true} : memref<32768xf32, #tpu.memory_space<vmem>>[vector<16xi32>], vector<16xf32>,
      %scan3A_281 = arith.constant 0 : i32
      scf.yield %scan3A_281 : i32
    }
    %scan3A_96 = arith.constant 25 : i32
    %add3A_97 = arith.constant 32 : i32
    %add3A_98 = arith.addi %mul3A_2, %add3A_97 : i32
    %mul3A_99 = arith.constant 1024 : i32
    %mul3A_100 = arith.muli %add3A_98, %mul3A_99 : i32
    %dma_start3A_101 = arith.constant 0 : i32
    %dma_start3A_102 = tpu.memref_slice %arg5[%dma_start3A_101] : memref<32768xf32, #tpu.memory_space<vmem>> -> memref<16384xf32, #tpu.memory_space<vmem>>
    %dma_start3A_103 = tpu.memref_slice %arg3[%mul3A_100] : memref<2097152xf32, #tpu.memory_space<hbm>> -> memref<16384xf32, #tpu.memory_space<hbm>>
    %dma_start3A_104 = tpu.memref_slice %arg3[%mul3A_100] : memref<2097152xf32, #tpu.memory_space<hbm>> -> memref<16384xf32, #tpu.memory_space<hbm>>
    %dma_start3A_105 = arith.constant 0 : i32
    %dma_start3A_106 = tpu.memref_slice %arg5[%dma_start3A_105] : memref<32768xf32, #tpu.memory_space<vmem>> -> memref<16384xf32, #tpu.memory_space<vmem>>
    tpu.enqueue_dma source(%dma_start3A_106 : memref<16384xf32, #tpu.memory_space<vmem>>) target(%dma_start3A_104 : memref<16384xf32, #tpu.memory_space<hbm>>) target_semaphore(%arg6 : memref<!tpu.dma_semaphore, #tpu.memory_space<semaphore_mem>>)
    %dma_wait3A_107 = arith.constant 16384 : i32
    %dma_wait3A_108 = tpu.memref_slice %arg5[%dma_wait3A_107] : memref<32768xf32, #tpu.memory_space<vmem>> -> memref<16384xf32, #tpu.memory_space<vmem>>
    %dma_wait3A_109 = tpu.memref_slice %arg3[%mul3A_67] : memref<2097152xf32, #tpu.memory_space<hbm>> -> memref<16384xf32, #tpu.memory_space<hbm>>
    %dma_wait3A_110 = tpu.memref_slice %arg3[%mul3A_67] : memref<2097152xf32, #tpu.memory_space<hbm>> -> memref<16384xf32, #tpu.memory_space<hbm>>
    %dma_wait3A_111 = arith.constant 16384 : i32
    %dma_wait3A_112 = tpu.memref_slice %arg5[%dma_wait3A_111] : memref<32768xf32, #tpu.memory_space<vmem>> -> memref<16384xf32, #tpu.memory_space<vmem>>
    tpu.wait_dma2 semaphore(%arg7 : memref<!tpu.dma_semaphore, #tpu.memory_space<semaphore_mem>>) src(%dma_wait3A_112 : memref<16384xf32, #tpu.memory_space<vmem>>) dst(%dma_wait3A_110 : memref<16384xf32, #tpu.memory_space<hbm>>)
    %add3A_113 = arith.constant 16384 : i32
    %add3A_114 = vector.broadcast %add3A_113 : i32 to vector<16xi32>
    %add3A_115 = arith.addi %mul3A_10, %add3A_114 : vector<16xi32>
    %scan3A_116 = arith.constant 0 : i32
    %scan3A_117 = arith.constant 0 : i32
    %scan3A_118 = arith.constant 64 : i32
    %scan3A_119 = arith.addi %scan3A_117, %scan3A_118 : i32
    %scan3A_120 = arith.constant 1 : i32
    %scan3A_121 = scf.for %scan3A_152 = %scan3A_117 to %scan3A_119 step %scan3A_120 iter_args(%scan3A_153 = %scan3A_116) -> (i32)  : i32 {
      %mul3A_154 = arith.constant 16 : i32
      %mul3A_155 = arith.muli %scan3A_152, %mul3A_154 : i32
      %add3A_156 = arith.constant 0 : i32
      %add3A_157 = arith.addi %mul3A_155, %add3A_156 : i32
      %mul3A_158 = arith.constant 16 : i32
      %mul3A_159 = arith.muli %add3A_157, %mul3A_158 : i32
      %add3A_160 = arith.constant 16384 : i32
      %add3A_161 = arith.addi %add3A_160, %mul3A_159 : i32
      %swap3A = arith.index_cast %add3A_161 : i32 to index
      %swap3A_162 = tpu.vector_load %arg5[%swap3A] {strides = array<i32>} : memref<32768xf32, #tpu.memory_space<vmem>>, vector<16xf32>,
      tpu.vector_store %arg5[%swap3A], %broadcast_in_dim3A_15 {strides = array<i32>} : memref<32768xf32, #tpu.memory_space<vmem>>, vector<16xf32>,
      %mul3A_163 = arith.constant 16 : i32
      %mul3A_164 = arith.muli %scan3A_152, %mul3A_163 : i32
      %add3A_165 = arith.constant 1 : i32
      %add3A_166 = arith.addi %mul3A_164, %add3A_165 : i32
      %mul3A_167 = arith.constant 16 : i32
      %mul3A_168 = arith.muli %add3A_166, %mul3A_167 : i32
      %add3A_169 = arith.constant 16384 : i32
      %add3A_170 = arith.addi %add3A_169, %mul3A_168 : i32
      %swap3A_171 = arith.index_cast %add3A_170 : i32 to index
      %swap3A_172 = tpu.vector_load %arg5[%swap3A_171] {strides = array<i32>} : memref<32768xf32, #tpu.memory_space<vmem>>, vector<16xf32>,
      tpu.vector_store %arg5[%swap3A_171], %broadcast_in_dim3A_15 {strides = array<i32>} : memref<32768xf32, #tpu.memory_space<vmem>>, vector<16xf32>,
      %mul3A_173 = arith.constant 16 : i32
      %mul3A_174 = arith.muli %scan3A_152, %mul3A_173 : i32
      %add3A_175 = arith.constant 2 : i32
      %add3A_176 = arith.addi %mul3A_174, %add3A_175 : i32
      %mul3A_177 = arith.constant 16 : i32
      %mul3A_178 = arith.muli %add3A_176, %mul3A_177 : i32
      %add3A_179 = arith.constant 16384 : i32
      %add3A_180 = arith.addi %add3A_179, %mul3A_178 : i32
      %swap3A_181 = arith.index_cast %add3A_180 : i32 to index
      %swap3A_182 = tpu.vector_load %arg5[%swap3A_181] {strides = array<i32>} : memref<32768xf32, #tpu.memory_space<vmem>>, vector<16xf32>,
      tpu.vector_store %arg5[%swap3A_181], %broadcast_in_dim3A_15 {strides = array<i32>} : memref<32768xf32, #tpu.memory_space<vmem>>, vector<16xf32>,
      %mul3A_183 = arith.constant 16 : i32
      %mul3A_184 = arith.muli %scan3A_152, %mul3A_183 : i32
      %add3A_185 = arith.constant 3 : i32
      %add3A_186 = arith.addi %mul3A_184, %add3A_185 : i32
      %mul3A_187 = arith.constant 16 : i32
      %mul3A_188 = arith.muli %add3A_186, %mul3A_187 : i32
      %add3A_189 = arith.constant 16384 : i32
      %add3A_190 = arith.addi %add3A_189, %mul3A_188 : i32
      %swap3A_191 = arith.index_cast %add3A_190 : i32 to index
      %swap3A_192 = tpu.vector_load %arg5[%swap3A_191] {strides = array<i32>} : memref<32768xf32, #tpu.memory_space<vmem>>, vector<16xf32>,
      tpu.vector_store %arg5[%swap3A_191], %broadcast_in_dim3A_15 {strides = array<i32>} : memref<32768xf32, #tpu.memory_space<vmem>>, vector<16xf32>,
      %mul3A_193 = arith.constant 16 : i32
      %mul3A_194 = arith.muli %scan3A_152, %mul3A_193 : i32
      %add3A_195 = arith.constant 4 : i32
      %add3A_196 = arith.addi %mul3A_194, %add3A_195 : i32
      %mul3A_197 = arith.constant 16 : i32
      %mul3A_198 = arith.muli %add3A_196, %mul3A_197 : i32
      %add3A_199 = arith.constant 16384 : i32
      %add3A_200 = arith.addi %add3A_199, %mul3A_198 : i32
      %swap3A_201 = arith.index_cast %add3A_200 : i32 to index
      %swap3A_202 = tpu.vector_load %arg5[%swap3A_201] {strides = array<i32>} : memref<32768xf32, #tpu.memory_space<vmem>>, vector<16xf32>,
      tpu.vector_store %arg5[%swap3A_201], %broadcast_in_dim3A_15 {strides = array<i32>} : memref<32768xf32, #tpu.memory_space<vmem>>, vector<16xf32>,
      %mul3A_203 = arith.constant 16 : i32
      %mul3A_204 = arith.muli %scan3A_152, %mul3A_203 : i32
      %add3A_205 = arith.constant 5 : i32
      %add3A_206 = arith.addi %mul3A_204, %add3A_205 : i32
      %mul3A_207 = arith.constant 16 : i32
      %mul3A_208 = arith.muli %add3A_206, %mul3A_207 : i32
      %add3A_209 = arith.constant 16384 : i32
      %add3A_210 = arith.addi %add3A_209, %mul3A_208 : i32
      %swap3A_211 = arith.index_cast %add3A_210 : i32 to index
      %swap3A_212 = tpu.vector_load %arg5[%swap3A_211] {strides = array<i32>} : memref<32768xf32, #tpu.memory_space<vmem>>, vector<16xf32>,
      tpu.vector_store %arg5[%swap3A_211], %broadcast_in_dim3A_15 {strides = array<i32>} : memref<32768xf32, #tpu.memory_space<vmem>>, vector<16xf32>,
      %mul3A_213 = arith.constant 16 : i32
      %mul3A_214 = arith.muli %scan3A_152, %mul3A_213 : i32
      %add3A_215 = arith.constant 6 : i32
      %add3A_216 = arith.addi %mul3A_214, %add3A_215 : i32
      %mul3A_217 = arith.constant 16 : i32
      %mul3A_218 = arith.muli %add3A_216, %mul3A_217 : i32
      %add3A_219 = arith.constant 16384 : i32
      %add3A_220 = arith.addi %add3A_219, %mul3A_218 : i32
      %swap3A_221 = arith.index_cast %add3A_220 : i32 to index
      %swap3A_222 = tpu.vector_load %arg5[%swap3A_221] {strides = array<i32>} : memref<32768xf32, #tpu.memory_space<vmem>>, vector<16xf32>,
      tpu.vector_store %arg5[%swap3A_221], %broadcast_in_dim3A_15 {strides = array<i32>} : memref<32768xf32, #tpu.memory_space<vmem>>, vector<16xf32>,
      %mul3A_223 = arith.constant 16 : i32
      %mul3A_224 = arith.muli %scan3A_152, %mul3A_223 : i32
      %add3A_225 = arith.constant 7 : i32
      %add3A_226 = arith.addi %mul3A_224, %add3A_225 : i32
      %mul3A_227 = arith.constant 16 : i32
      %mul3A_228 = arith.muli %add3A_226, %mul3A_227 : i32
      %add3A_229 = arith.constant 16384 : i32
      %add3A_230 = arith.addi %add3A_229, %mul3A_228 : i32
      %swap3A_231 = arith.index_cast %add3A_230 : i32 to index
      %swap3A_232 = tpu.vector_load %arg5[%swap3A_231] {strides = array<i32>} : memref<32768xf32, #tpu.memory_space<vmem>>, vector<16xf32>,
      tpu.vector_store %arg5[%swap3A_231], %broadcast_in_dim3A_15 {strides = array<i32>} : memref<32768xf32, #tpu.memory_space<vmem>>, vector<16xf32>,
      %mul3A_233 = arith.constant 16 : i32
      %mul3A_234 = arith.muli %scan3A_152, %mul3A_233 : i32
      %add3A_235 = arith.constant 8 : i32
      %add3A_236 = arith.addi %mul3A_234, %add3A_235 : i32
      %mul3A_237 = arith.constant 16 : i32
      %mul3A_238 = arith.muli %add3A_236, %mul3A_237 : i32
      %add3A_239 = arith.constant 16384 : i32
      %add3A_240 = arith.addi %add3A_239, %mul3A_238 : i32
      %swap3A_241 = arith.index_cast %add3A_240 : i32 to index
      %swap3A_242 = tpu.vector_load %arg5[%swap3A_241] {strides = array<i32>} : memref<32768xf32, #tpu.memory_space<vmem>>, vector<16xf32>,
      tpu.vector_store %arg5[%swap3A_241], %broadcast_in_dim3A_15 {strides = array<i32>} : memref<32768xf32, #tpu.memory_space<vmem>>, vector<16xf32>,
      %mul3A_243 = arith.constant 16 : i32
      %mul3A_244 = arith.muli %scan3A_152, %mul3A_243 : i32
      %add3A_245 = arith.constant 9 : i32
      %add3A_246 = arith.addi %mul3A_244, %add3A_245 : i32
      %mul3A_247 = arith.constant 16 : i32
      %mul3A_248 = arith.muli %add3A_246, %mul3A_247 : i32
      %add3A_249 = arith.constant 16384 : i32
      %add3A_250 = arith.addi %add3A_249, %mul3A_248 : i32
      %swap3A_251 = arith.index_cast %add3A_250 : i32 to index
      %swap3A_252 = tpu.vector_load %arg5[%swap3A_251] {strides = array<i32>} : memref<32768xf32, #tpu.memory_space<vmem>>, vector<16xf32>,
      tpu.vector_store %arg5[%swap3A_251], %broadcast_in_dim3A_15 {strides = array<i32>} : memref<32768xf32, #tpu.memory_space<vmem>>, vector<16xf32>,
      %mul3A_253 = arith.constant 16 : i32
      %mul3A_254 = arith.muli %scan3A_152, %mul3A_253 : i32
      %add3A_255 = arith.constant 10 : i32
      %add3A_256 = arith.addi %mul3A_254, %add3A_255 : i32
      %mul3A_257 = arith.constant 16 : i32
      %mul3A_258 = arith.muli %add3A_256, %mul3A_257 : i32
      %add3A_259 = arith.constant 16384 : i32
      %add3A_260 = arith.addi %add3A_259, %mul3A_258 : i32
      %swap3A_261 = arith.index_cast %add3A_260 : i32 to index
      %swap3A_262 = tpu.vector_load %arg5[%swap3A_261] {strides = array<i32>} : memref<32768xf32, #tpu.memory_space<vmem>>, vector<16xf32>,
      tpu.vector_store %arg5[%swap3A_261], %broadcast_in_dim3A_15 {strides = array<i32>} : memref<32768xf32, #tpu.memory_space<vmem>>, vector<16xf32>,
      %mul3A_263 = arith.constant 16 : i32
      %mul3A_264 = arith.muli %scan3A_152, %mul3A_263 : i32
      %add3A_265 = arith.constant 11 : i32
      %add3A_266 = arith.addi %mul3A_264, %add3A_265 : i32
      %mul3A_267 = arith.constant 16 : i32
      %mul3A_268 = arith.muli %add3A_266, %mul3A_267 : i32
      %add3A_269 = arith.constant 16384 : i32
      %add3A_270 = arith.addi %add3A_269, %mul3A_268 : i32
      %swap3A_271 = arith.index_cast %add3A_270 : i32 to index
      %swap3A_272 = tpu.vector_load %arg5[%swap3A_271] {strides = array<i32>} : memref<32768xf32, #tpu.memory_space<vmem>>, vector<16xf32>,
      tpu.vector_store %arg5[%swap3A_271], %broadcast_in_dim3A_15 {strides = array<i32>} : memref<32768xf32, #tpu.memory_space<vmem>>, vector<16xf32>,
      %mul3A_273 = arith.constant 16 : i32
      %mul3A_274 = arith.muli %scan3A_152, %mul3A_273 : i32
      %add3A_275 = arith.constant 12 : i32
      %add3A_276 = arith.addi %mul3A_274, %add3A_275 : i32
      %mul3A_277 = arith.constant 16 : i32
      %mul3A_278 = arith.muli %add3A_276, %mul3A_277 : i32
      %add3A_279 = arith.constant 16384 : i32
      %add3A_280 = arith.addi %add3A_279, %mul3A_278 : i32
      %swap3A_281 = arith.index_cast %add3A_280 : i32 to index
      %swap3A_282 = tpu.vector_load %arg5[%swap3A_281] {strides = array<i32>} : memref<32768xf32, #tpu.memory_space<vmem>>, vector<16xf32>,
      tpu.vector_store %arg5[%swap3A_281], %broadcast_in_dim3A_15 {strides = array<i32>} : memref<32768xf32, #tpu.memory_space<vmem>>, vector<16xf32>,
      %mul3A_283 = arith.constant 16 : i32
      %mul3A_284 = arith.muli %scan3A_152, %mul3A_283 : i32
      %add3A_285 = arith.constant 13 : i32
      %add3A_286 = arith.addi %mul3A_284, %add3A_285 : i32
      %mul3A_287 = arith.constant 16 : i32
      %mul3A_288 = arith.muli %add3A_286, %mul3A_287 : i32
      %add3A_289 = arith.constant 16384 : i32
      %add3A_290 = arith.addi %add3A_289, %mul3A_288 : i32
      %swap3A_291 = arith.index_cast %add3A_290 : i32 to index
      %swap3A_292 = tpu.vector_load %arg5[%swap3A_291] {strides = array<i32>} : memref<32768xf32, #tpu.memory_space<vmem>>, vector<16xf32>,
      tpu.vector_store %arg5[%swap3A_291], %broadcast_in_dim3A_15 {strides = array<i32>} : memref<32768xf32, #tpu.memory_space<vmem>>, vector<16xf32>,
      %mul3A_293 = arith.constant 16 : i32
      %mul3A_294 = arith.muli %scan3A_152, %mul3A_293 : i32
      %add3A_295 = arith.constant 14 : i32
      %add3A_296 = arith.addi %mul3A_294, %add3A_295 : i32
      %mul3A_297 = arith.constant 16 : i32
      %mul3A_298 = arith.muli %add3A_296, %mul3A_297 : i32
      %add3A_299 = arith.constant 16384 : i32
      %add3A_300 = arith.addi %add3A_299, %mul3A_298 : i32
      %swap3A_301 = arith.index_cast %add3A_300 : i32 to index
      %swap3A_302 = tpu.vector_load %arg5[%swap3A_301] {strides = array<i32>} : memref<32768xf32, #tpu.memory_space<vmem>>, vector<16xf32>,
      tpu.vector_store %arg5[%swap3A_301], %broadcast_in_dim3A_15 {strides = array<i32>} : memref<32768xf32, #tpu.memory_space<vmem>>, vector<16xf32>,
      %mul3A_303 = arith.constant 16 : i32
      %mul3A_304 = arith.muli %scan3A_152, %mul3A_303 : i32
      %add3A_305 = arith.constant 15 : i32
      %add3A_306 = arith.addi %mul3A_304, %add3A_305 : i32
      %mul3A_307 = arith.constant 16 : i32
      %mul3A_308 = arith.muli %add3A_306, %mul3A_307 : i32
      %add3A_309 = arith.constant 16384 : i32
      %add3A_310 = arith.addi %add3A_309, %mul3A_308 : i32
      %swap3A_311 = arith.index_cast %add3A_310 : i32 to index
      %swap3A_312 = tpu.vector_load %arg5[%swap3A_311] {strides = array<i32>} : memref<32768xf32, #tpu.memory_space<vmem>>, vector<16xf32>,
      tpu.vector_store %arg5[%swap3A_311], %broadcast_in_dim3A_15 {strides = array<i32>} : memref<32768xf32, #tpu.memory_space<vmem>>, vector<16xf32>,
      %scan3A_313 = arith.constant 0 : i32
      scf.yield %scan3A_313 : i32
    }
    %scan3A_122 = arith.constant 64 : i32
    %scan3A_123 = arith.constant 0 : i32
    %scan3A_124 = arith.constant 0 : i32
    %scan3A_125 = arith.constant 25 : i32
    %scan3A_126 = arith.addi %scan3A_124, %scan3A_125 : i32
    %scan3A_127 = arith.constant 1 : i32
    %scan3A_128 = scf.for %scan3A_152 = %scan3A_124 to %scan3A_126 step %scan3A_127 iter_args(%scan3A_153 = %scan3A_123) -> (i32)  : i32 {
      %mul3A_154 = arith.constant 8 : i32
      %mul3A_155 = arith.muli %scan3A_152, %mul3A_154 : i32
      %add3A_156 = arith.constant 0 : i32
      %add3A_157 = arith.addi %mul3A_155, %add3A_156 : i32
      %mul3A_158 = arith.constant 128 : i32
      %mul3A_159 = arith.muli %add3A_157, %mul3A_158 : i32
      %add3A_160 = arith.constant 96 : i32
      %add3A_161 = arith.addi %mul3A_159, %add3A_160 : i32
      %get3A = arith.index_cast %add3A_161 : i32 to index
      %get3A_162 = tpu.vector_load %arg4[%get3A] {strides = array<i32>} : memref<25600xi32, #tpu.memory_space<vmem>>, vector<16xi32>,
      %add3A_163 = arith.addi %add3A_115, %get3A_162 : vector<16xi32>
      tpu.vector_store_idx %arg5[%add3A_163], %broadcast_in_dim3A_11 {add = true} : memref<32768xf32, #tpu.memory_space<vmem>>[vector<16xi32>], vector<16xf32>,
      %add3A_164 = arith.constant 16 : i32
      %add3A_165 = arith.addi %add3A_161, %add3A_164 : i32
      %get3A_166 = arith.index_cast %add3A_165 : i32 to index
      %get3A_167 = tpu.vector_load %arg4[%get3A_166] {strides = array<i32>} : memref<25600xi32, #tpu.memory_space<vmem>>, vector<16xi32>,
      %add3A_168 = arith.addi %add3A_115, %get3A_167 : vector<16xi32>
      tpu.vector_store_idx %arg5[%add3A_168], %broadcast_in_dim3A_13 {add = true} : memref<32768xf32, #tpu.memory_space<vmem>>[vector<16xi32>], vector<16xf32>,
      %mul3A_169 = arith.constant 8 : i32
      %mul3A_170 = arith.muli %scan3A_152, %mul3A_169 : i32
      %add3A_171 = arith.constant 1 : i32
      %add3A_172 = arith.addi %mul3A_170, %add3A_171 : i32
      %mul3A_173 = arith.constant 128 : i32
      %mul3A_174 = arith.muli %add3A_172, %mul3A_173 : i32
      %add3A_175 = arith.constant 96 : i32
      %add3A_176 = arith.addi %mul3A_174, %add3A_175 : i32
      %get3A_177 = arith.index_cast %add3A_176 : i32 to index
      %get3A_178 = tpu.vector_load %arg4[%get3A_177] {strides = array<i32>} : memref<25600xi32, #tpu.memory_space<vmem>>, vector<16xi32>,
      %add3A_179 = arith.addi %add3A_115, %get3A_178 : vector<16xi32>
      tpu.vector_store_idx %arg5[%add3A_179], %broadcast_in_dim3A_11 {add = true} : memref<32768xf32, #tpu.memory_space<vmem>>[vector<16xi32>], vector<16xf32>,
      %add3A_180 = arith.constant 16 : i32
      %add3A_181 = arith.addi %add3A_176, %add3A_180 : i32
      %get3A_182 = arith.index_cast %add3A_181 : i32 to index
      %get3A_183 = tpu.vector_load %arg4[%get3A_182] {strides = array<i32>} : memref<25600xi32, #tpu.memory_space<vmem>>, vector<16xi32>,
      %add3A_184 = arith.addi %add3A_115, %get3A_183 : vector<16xi32>
      tpu.vector_store_idx %arg5[%add3A_184], %broadcast_in_dim3A_13 {add = true} : memref<32768xf32, #tpu.memory_space<vmem>>[vector<16xi32>], vector<16xf32>,
      %mul3A_185 = arith.constant 8 : i32
      %mul3A_186 = arith.muli %scan3A_152, %mul3A_185 : i32
      %add3A_187 = arith.constant 2 : i32
      %add3A_188 = arith.addi %mul3A_186, %add3A_187 : i32
      %mul3A_189 = arith.constant 128 : i32
      %mul3A_190 = arith.muli %add3A_188, %mul3A_189 : i32
      %add3A_191 = arith.constant 96 : i32
      %add3A_192 = arith.addi %mul3A_190, %add3A_191 : i32
      %get3A_193 = arith.index_cast %add3A_192 : i32 to index
      %get3A_194 = tpu.vector_load %arg4[%get3A_193] {strides = array<i32>} : memref<25600xi32, #tpu.memory_space<vmem>>, vector<16xi32>,
      %add3A_195 = arith.addi %add3A_115, %get3A_194 : vector<16xi32>
      tpu.vector_store_idx %arg5[%add3A_195], %broadcast_in_dim3A_11 {add = true} : memref<32768xf32, #tpu.memory_space<vmem>>[vector<16xi32>], vector<16xf32>,
      %add3A_196 = arith.constant 16 : i32
      %add3A_197 = arith.addi %add3A_192, %add3A_196 : i32
      %get3A_198 = arith.index_cast %add3A_197 : i32 to index
      %get3A_199 = tpu.vector_load %arg4[%get3A_198] {strides = array<i32>} : memref<25600xi32, #tpu.memory_space<vmem>>, vector<16xi32>,
      %add3A_200 = arith.addi %add3A_115, %get3A_199 : vector<16xi32>
      tpu.vector_store_idx %arg5[%add3A_200], %broadcast_in_dim3A_13 {add = true} : memref<32768xf32, #tpu.memory_space<vmem>>[vector<16xi32>], vector<16xf32>,
      %mul3A_201 = arith.constant 8 : i32
      %mul3A_202 = arith.muli %scan3A_152, %mul3A_201 : i32
      %add3A_203 = arith.constant 3 : i32
      %add3A_204 = arith.addi %mul3A_202, %add3A_203 : i32
      %mul3A_205 = arith.constant 128 : i32
      %mul3A_206 = arith.muli %add3A_204, %mul3A_205 : i32
      %add3A_207 = arith.constant 96 : i32
      %add3A_208 = arith.addi %mul3A_206, %add3A_207 : i32
      %get3A_209 = arith.index_cast %add3A_208 : i32 to index
      %get3A_210 = tpu.vector_load %arg4[%get3A_209] {strides = array<i32>} : memref<25600xi32, #tpu.memory_space<vmem>>, vector<16xi32>,
      %add3A_211 = arith.addi %add3A_115, %get3A_210 : vector<16xi32>
      tpu.vector_store_idx %arg5[%add3A_211], %broadcast_in_dim3A_11 {add = true} : memref<32768xf32, #tpu.memory_space<vmem>>[vector<16xi32>], vector<16xf32>,
      %add3A_212 = arith.constant 16 : i32
      %add3A_213 = arith.addi %add3A_208, %add3A_212 : i32
      %get3A_214 = arith.index_cast %add3A_213 : i32 to index
      %get3A_215 = tpu.vector_load %arg4[%get3A_214] {strides = array<i32>} : memref<25600xi32, #tpu.memory_space<vmem>>, vector<16xi32>,
      %add3A_216 = arith.addi %add3A_115, %get3A_215 : vector<16xi32>
      tpu.vector_store_idx %arg5[%add3A_216], %broadcast_in_dim3A_13 {add = true} : memref<32768xf32, #tpu.memory_space<vmem>>[vector<16xi32>], vector<16xf32>,
      %mul3A_217 = arith.constant 8 : i32
      %mul3A_218 = arith.muli %scan3A_152, %mul3A_217 : i32
      %add3A_219 = arith.constant 4 : i32
      %add3A_220 = arith.addi %mul3A_218, %add3A_219 : i32
      %mul3A_221 = arith.constant 128 : i32
      %mul3A_222 = arith.muli %add3A_220, %mul3A_221 : i32
      %add3A_223 = arith.constant 96 : i32
      %add3A_224 = arith.addi %mul3A_222, %add3A_223 : i32
      %get3A_225 = arith.index_cast %add3A_224 : i32 to index
      %get3A_226 = tpu.vector_load %arg4[%get3A_225] {strides = array<i32>} : memref<25600xi32, #tpu.memory_space<vmem>>, vector<16xi32>,
      %add3A_227 = arith.addi %add3A_115, %get3A_226 : vector<16xi32>
      tpu.vector_store_idx %arg5[%add3A_227], %broadcast_in_dim3A_11 {add = true} : memref<32768xf32, #tpu.memory_space<vmem>>[vector<16xi32>], vector<16xf32>,
      %add3A_228 = arith.constant 16 : i32
      %add3A_229 = arith.addi %add3A_224, %add3A_228 : i32
      %get3A_230 = arith.index_cast %add3A_229 : i32 to index
      %get3A_231 = tpu.vector_load %arg4[%get3A_230] {strides = array<i32>} : memref<25600xi32, #tpu.memory_space<vmem>>, vector<16xi32>,
      %add3A_232 = arith.addi %add3A_115, %get3A_231 : vector<16xi32>
      tpu.vector_store_idx %arg5[%add3A_232], %broadcast_in_dim3A_13 {add = true} : memref<32768xf32, #tpu.memory_space<vmem>>[vector<16xi32>], vector<16xf32>,
      %mul3A_233 = arith.constant 8 : i32
      %mul3A_234 = arith.muli %scan3A_152, %mul3A_233 : i32
      %add3A_235 = arith.constant 5 : i32
      %add3A_236 = arith.addi %mul3A_234, %add3A_235 : i32
      %mul3A_237 = arith.constant 128 : i32
      %mul3A_238 = arith.muli %add3A_236, %mul3A_237 : i32
      %add3A_239 = arith.constant 96 : i32
      %add3A_240 = arith.addi %mul3A_238, %add3A_239 : i32
      %get3A_241 = arith.index_cast %add3A_240 : i32 to index
      %get3A_242 = tpu.vector_load %arg4[%get3A_241] {strides = array<i32>} : memref<25600xi32, #tpu.memory_space<vmem>>, vector<16xi32>,
      %add3A_243 = arith.addi %add3A_115, %get3A_242 : vector<16xi32>
      tpu.vector_store_idx %arg5[%add3A_243], %broadcast_in_dim3A_11 {add = true} : memref<32768xf32, #tpu.memory_space<vmem>>[vector<16xi32>], vector<16xf32>,
      %add3A_244 = arith.constant 16 : i32
      %add3A_245 = arith.addi %add3A_240, %add3A_244 : i32
      %get3A_246 = arith.index_cast %add3A_245 : i32 to index
      %get3A_247 = tpu.vector_load %arg4[%get3A_246] {strides = array<i32>} : memref<25600xi32, #tpu.memory_space<vmem>>, vector<16xi32>,
      %add3A_248 = arith.addi %add3A_115, %get3A_247 : vector<16xi32>
      tpu.vector_store_idx %arg5[%add3A_248], %broadcast_in_dim3A_13 {add = true} : memref<32768xf32, #tpu.memory_space<vmem>>[vector<16xi32>], vector<16xf32>,
      %mul3A_249 = arith.constant 8 : i32
      %mul3A_250 = arith.muli %scan3A_152, %mul3A_249 : i32
      %add3A_251 = arith.constant 6 : i32
      %add3A_252 = arith.addi %mul3A_250, %add3A_251 : i32
      %mul3A_253 = arith.constant 128 : i32
      %mul3A_254 = arith.muli %add3A_252, %mul3A_253 : i32
      %add3A_255 = arith.constant 96 : i32
      %add3A_256 = arith.addi %mul3A_254, %add3A_255 : i32
      %get3A_257 = arith.index_cast %add3A_256 : i32 to index
      %get3A_258 = tpu.vector_load %arg4[%get3A_257] {strides = array<i32>} : memref<25600xi32, #tpu.memory_space<vmem>>, vector<16xi32>,
      %add3A_259 = arith.addi %add3A_115, %get3A_258 : vector<16xi32>
      tpu.vector_store_idx %arg5[%add3A_259], %broadcast_in_dim3A_11 {add = true} : memref<32768xf32, #tpu.memory_space<vmem>>[vector<16xi32>], vector<16xf32>,
      %add3A_260 = arith.constant 16 : i32
      %add3A_261 = arith.addi %add3A_256, %add3A_260 : i32
      %get3A_262 = arith.index_cast %add3A_261 : i32 to index
      %get3A_263 = tpu.vector_load %arg4[%get3A_262] {strides = array<i32>} : memref<25600xi32, #tpu.memory_space<vmem>>, vector<16xi32>,
      %add3A_264 = arith.addi %add3A_115, %get3A_263 : vector<16xi32>
      tpu.vector_store_idx %arg5[%add3A_264], %broadcast_in_dim3A_13 {add = true} : memref<32768xf32, #tpu.memory_space<vmem>>[vector<16xi32>], vector<16xf32>,
      %mul3A_265 = arith.constant 8 : i32
      %mul3A_266 = arith.muli %scan3A_152, %mul3A_265 : i32
      %add3A_267 = arith.constant 7 : i32
      %add3A_268 = arith.addi %mul3A_266, %add3A_267 : i32
      %mul3A_269 = arith.constant 128 : i32
      %mul3A_270 = arith.muli %add3A_268, %mul3A_269 : i32
      %add3A_271 = arith.constant 96 : i32
      %add3A_272 = arith.addi %mul3A_270, %add3A_271 : i32
      %get3A_273 = arith.index_cast %add3A_272 : i32 to index
      %get3A_274 = tpu.vector_load %arg4[%get3A_273] {strides = array<i32>} : memref<25600xi32, #tpu.memory_space<vmem>>, vector<16xi32>,
      %add3A_275 = arith.addi %add3A_115, %get3A_274 : vector<16xi32>
      tpu.vector_store_idx %arg5[%add3A_275], %broadcast_in_dim3A_11 {add = true} : memref<32768xf32, #tpu.memory_space<vmem>>[vector<16xi32>], vector<16xf32>,
      %add3A_276 = arith.constant 16 : i32
      %add3A_277 = arith.addi %add3A_272, %add3A_276 : i32
      %get3A_278 = arith.index_cast %add3A_277 : i32 to index
      %get3A_279 = tpu.vector_load %arg4[%get3A_278] {strides = array<i32>} : memref<25600xi32, #tpu.memory_space<vmem>>, vector<16xi32>,
      %add3A_280 = arith.addi %add3A_115, %get3A_279 : vector<16xi32>
      tpu.vector_store_idx %arg5[%add3A_280], %broadcast_in_dim3A_13 {add = true} : memref<32768xf32, #tpu.memory_space<vmem>>[vector<16xi32>], vector<16xf32>,
      %scan3A_281 = arith.constant 0 : i32
      scf.yield %scan3A_281 : i32
    }
    %scan3A_129 = arith.constant 25 : i32
    %add3A_130 = arith.constant 48 : i32
    %add3A_131 = arith.addi %mul3A_2, %add3A_130 : i32
    %mul3A_132 = arith.constant 1024 : i32
    %mul3A_133 = arith.muli %add3A_131, %mul3A_132 : i32
    %dma_start3A_134 = arith.constant 16384 : i32
    %dma_start3A_135 = tpu.memref_slice %arg5[%dma_start3A_134] : memref<32768xf32, #tpu.memory_space<vmem>> -> memref<16384xf32, #tpu.memory_space<vmem>>
    %dma_start3A_136 = tpu.memref_slice %arg3[%mul3A_133] : memref<2097152xf32, #tpu.memory_space<hbm>> -> memref<16384xf32, #tpu.memory_space<hbm>>
    %dma_start3A_137 = tpu.memref_slice %arg3[%mul3A_133] : memref<2097152xf32, #tpu.memory_space<hbm>> -> memref<16384xf32, #tpu.memory_space<hbm>>
    %dma_start3A_138 = arith.constant 16384 : i32
    %dma_start3A_139 = tpu.memref_slice %arg5[%dma_start3A_138] : memref<32768xf32, #tpu.memory_space<vmem>> -> memref<16384xf32, #tpu.memory_space<vmem>>
    tpu.enqueue_dma source(%dma_start3A_139 : memref<16384xf32, #tpu.memory_space<vmem>>) target(%dma_start3A_137 : memref<16384xf32, #tpu.memory_space<hbm>>) target_semaphore(%arg7 : memref<!tpu.dma_semaphore, #tpu.memory_space<semaphore_mem>>)
    %dma_wait3A_140 = arith.constant 0 : i32
    %dma_wait3A_141 = tpu.memref_slice %arg5[%dma_wait3A_140] : memref<32768xf32, #tpu.memory_space<vmem>> -> memref<16384xf32, #tpu.memory_space<vmem>>
    %dma_wait3A_142 = tpu.memref_slice %arg3[%mul3A_100] : memref<2097152xf32, #tpu.memory_space<hbm>> -> memref<16384xf32, #tpu.memory_space<hbm>>
    %dma_wait3A_143 = tpu.memref_slice %arg3[%mul3A_100] : memref<2097152xf32, #tpu.memory_space<hbm>> -> memref<16384xf32, #tpu.memory_space<hbm>>
    %dma_wait3A_144 = arith.constant 0 : i32
    %dma_wait3A_145 = tpu.memref_slice %arg5[%dma_wait3A_144] : memref<32768xf32, #tpu.memory_space<vmem>> -> memref<16384xf32, #tpu.memory_space<vmem>>
    tpu.wait_dma2 semaphore(%arg6 : memref<!tpu.dma_semaphore, #tpu.memory_space<semaphore_mem>>) src(%dma_wait3A_145 : memref<16384xf32, #tpu.memory_space<vmem>>) dst(%dma_wait3A_143 : memref<16384xf32, #tpu.memory_space<hbm>>)
    %dma_wait3A_146 = arith.constant 16384 : i32
    %dma_wait3A_147 = tpu.memref_slice %arg5[%dma_wait3A_146] : memref<32768xf32, #tpu.memory_space<vmem>> -> memref<16384xf32, #tpu.memory_space<vmem>>
    %dma_wait3A_148 = tpu.memref_slice %arg3[%mul3A_133] : memref<2097152xf32, #tpu.memory_space<hbm>> -> memref<16384xf32, #tpu.memory_space<hbm>>
    %dma_wait3A_149 = tpu.memref_slice %arg3[%mul3A_133] : memref<2097152xf32, #tpu.memory_space<hbm>> -> memref<16384xf32, #tpu.memory_space<hbm>>
    %dma_wait3A_150 = arith.constant 16384 : i32
    %dma_wait3A_151 = tpu.memref_slice %arg5[%dma_wait3A_150] : memref<32768xf32, #tpu.memory_space<vmem>> -> memref<16384xf32, #tpu.memory_space<vmem>>
    tpu.wait_dma2 semaphore(%arg7 : memref<!tpu.dma_semaphore, #tpu.memory_space<semaphore_mem>>) src(%dma_wait3A_151 : memref<16384xf32, #tpu.memory_space<vmem>>) dst(%dma_wait3A_149 : memref<16384xf32, #tpu.memory_space<hbm>>)
    return
  }
}

</mosaic_0001>

<sc_bundles>
// kernel: _sc_hist.3.cloned.1.call-start
scs
__scs_entry_jumppad:
0x0: {  	(pc) =	sbr.rel $0x88, $3  }
0x1: {  	(tag) =	ssettag $0x0;
	lr =	simm.s32 $0x1  }
0x2: {  	[smem:$0x3FA0] =	sst lr;
	_ =	strace $0xD0000000  }
0x3: {  	_ = 	snop  }
0x4: {  	_ = 	snop  }
0x5: {  	_ = 	snop  }
0x6: {  	_ = 	snop  }
0x7: {  	_ = 	snop  }
__scs_overlays_trampoline_lowered:
0x8: {  	[smem:$0x3FAF] =	sst s0  }
0x9: {  	[smem:$0x3FB0] =	sst s1  }
0xa: {  	[smem:$0x3FB1] =	sst s2  }
0xb: {  	[smem:$0x3FB2] =	sst s3  }
0xc: {  	[smem:$0x3FB3] =	sst s4  }
0xd: {  	[smem:$0x3FB4] =	sst s5  }
0xe: {  	[smem:$0x3FB5] =	sst s6  }
0xf: {  	[smem:$0x3FB6] =	sst s7  }
0x10: {  	[smem:$0x3FB7] =	sst s8  }
0x11: {  	[smem:$0x3FB8] =	sst s9;
	s0 =	simm.s32 @!p0 $0x0  }
0x12: {  	s1 =	sld [smem:$0x3F9E];
	s0 =	simm.s32 @p0 $0x1  }
0x13: {  	[smem:$0x3FB9] =	sst s0;
	s0 =	simm.s32 @!p1 $0x0  }
0x14: {  	s2 =	sld [smem:$0x3F9D];
	s0 =	simm.s32 @p1 $0x1  }
0x15: {  	[smem:$0x3FBA] =	sst s0;
	s0 =	simm.s32 @!p2 $0x0  }
0x16: {  	s3 =	sld [smem:$0x3FDB];
	s0 =	simm.s32 @p2 $0x1  }
0x17: {  	s4 =	simm.s32 $0x1BF5;
	[smem:$0x3FBC] =	sst s0  }
0x18: {  	s0 =	sld [smem:$0x3F9F];
	_ =	swait.ge [sflag:s4], $0x0  }
0x19: {  	s7 =	sld [smem:$0x3FA0]  }
0x1a: {  	s8 =	sadd.s32 $0xFFFFE003, lr  }
0x1b: {  	s9 =	sadd.s32 $0xFFFFFEF7, lr;
	s5 =	simm.s32 $0xFFFFFFFF;
	p2 =	slt.u32 s8, $0xFFFFF086  }
0x1c: {  	p1 =	slt.u32 s9, $0xF7A;
	s5 =	simm.s32 @!p2 $0x0  }
0x1d: {  	s5 =	simm.s32 @p1 $0x1;
	p0 =	seq.s32 s7, s2  }
0x1e: {  	s7 =	smul.u32 @!p0 $0xF7A, s2;
	p2 =	seq.s32 @!p0 s5, $0x0  }
0x1f: {  	s9 =	smul.u32 $0xF7A, s1;
	s8 =	simm.s32 @!p0 $0x1BF5;
	p2 =	por !p2, p0  }
0x20: {  	[sflag:s8] =	ssyncset.s32 @!p0 $0xFFFFF086;
	s6 =	sadd.s32 @!p0 s3, s7;
	s7 =	simm.s32 @!p0 $0x108  }
0x21: {  	s3 =	sadd.s32 s3, s9;
	s6 =	sadd.s32 @!p0 $0x88, s6;
	s7 =	simm.s32 @p2 $0x1082  }
0x22: {  	[simem:s7], [sflag:s8] =	dma.local @!p0 [hbm:s6], $0xF7A  }
0x23: {  	s9 =	sor.u32 $0xD0000000, s2;
	s6 =	simm.s32 $0x108;
	_ =	swait.ge @!p0 [sflag:s8], $0x0  }
0x24: {  	s3 =	sadd.s32 $0x88, s3;
	s6 =	simm.s32 @!p1 $0x1082;
	[sflag:s4] =	ssyncset.s32 $0xFFFFF086  }
0x25: {  	[simem:s6], [sflag:s4] =	dma.local [hbm:s3], $0xF7A  }
0x26: {  	[smem:$0x3FA0] =	sst s1;
	(tag) =	ssettag s2;
	_ =	strace s9  }
0x27: {  	s1 =	sld [smem:$0x3FB0]  }
0x28: {  	s2 =	sld [smem:$0x3FB1]  }
0x29: {  	s4 =	sld [smem:$0x3FB3]  }
0x2a: {  	p0 =	seq.s32 s5, $0x0;
	s5 =	sld [smem:$0x3FB4]  }
0x2b: {  	s6 =	sld [smem:$0x3FB5]  }
0x2c: {  	s7 =	sld [smem:$0x3FB6]  }
0x2d: {  	s3 =	simm.s32 $0x108;
	s8 =	sld [smem:$0x3FB7]  }
0x2e: {  	s3 =	simm.s32 @!p0 $0x1082;
	s9 =	sld [smem:$0x3FB8]  }
0x2f: {  	lr =	sadd.s32 s0, s3;
	s0 =	sld [smem:$0x3FAF]  }
0x30: {  	s3 =	sld [smem:$0x3FB2]  }
0x31: {  	[smem:$0x3FBB] =	sst s10  }
0x32: {  	s10 =	sld [smem:$0x3FB9];
	_ =	sdelay $0x3  }
0x33: {  	p0 =	seq.s32 s10, $0x1;
	s10 =	sld [smem:$0x3FBB];
	_ =	sdelay $0x3  }
0x34: {  	[smem:$0x3FBB] =	sst s10  }
0x35: {  	s10 =	sld [smem:$0x3FBA];
	_ =	sdelay $0x3  }
0x36: {  	p1 =	seq.s32 s10, $0x1;
	s10 =	sld [smem:$0x3FBB];
	_ =	sdelay $0x3  }
0x37: {  	[smem:$0x3FBB] =	sst s10  }
0x38: {  	s10 =	sld [smem:$0x3FBC]  }
0x39: {  	_ = 	snop;
	(pc) =	sbr.ind lr, $3  }
0x3a: {  	_ = 	snop  }
0x3b: {  	_ = 	snop  }
0x3c: {  	p2 =	seq.s32 s10, $0x1;
	s10 =	sld [smem:$0x3FBB]  }
0x3d: {  	_ =	shalt  }
0x3e: {  	_ =	shalt  }
0x3f: {  	_ =	shalt  }
0x40: {  	_ =	shalt  }
0x41: {  	_ =	shalt  }
0x42: {  	_ =	shalt  }
0x43: {  	_ =	shalt  }
0x44: {  	_ =	shalt  }
0x45: {  	_ =	shalt  }
0x46: {  	_ =	shalt  }
0x47: {  	_ =	shalt  }
0x48: {  	_ =	shalt  }
0x49: {  	_ =	shalt  }
0x4a: {  	_ =	shalt  }
0x4b: {  	_ =	shalt  }
0x4c: {  	_ =	shalt  }
0x4d: {  	_ =	shalt  }
0x4e: {  	_ =	shalt  }
0x4f: {  	_ =	shalt  }
0x50: {  	_ =	shalt  }
0x51: {  	_ =	shalt  }
0x52: {  	_ =	shalt  }
0x53: {  	_ =	shalt  }
0x54: {  	_ =	shalt  }
0x55: {  	_ =	shalt  }
0x56: {  	_ =	shalt  }
0x57: {  	_ =	shalt  }
0x58: {  	_ =	shalt  }
0x59: {  	_ =	shalt  }
0x5a: {  	_ =	shalt  }
0x5b: {  	_ =	shalt  }
0x5c: {  	_ =	shalt  }
0x5d: {  	_ =	shalt  }
0x5e: {  	_ =	shalt  }
0x5f: {  	_ =	shalt  }
0x60: {  	_ =	shalt  }
0x61: {  	_ =	shalt  }
0x62: {  	_ =	shalt  }
0x63: {  	_ =	shalt  }
0x64: {  	_ =	shalt  }
0x65: {  	_ =	shalt  }
0x66: {  	_ =	shalt  }
0x67: {  	_ =	shalt  }
0x68: {  	_ =	shalt  }
0x69: {  	_ =	shalt  }
0x6a: {  	_ =	shalt  }
0x6b: {  	_ =	shalt  }
0x6c: {  	_ =	shalt  }
0x6d: {  	_ =	shalt  }
0x6e: {  	_ =	shalt  }
0x6f: {  	_ =	shalt  }
0x70: {  	_ =	shalt  }
0x71: {  	_ =	shalt  }
0x72: {  	_ =	shalt  }
0x73: {  	_ =	shalt  }
0x74: {  	_ =	shalt  }
0x75: {  	_ =	shalt  }
0x76: {  	_ =	shalt  }
0x77: {  	_ =	shalt  }
0x78: {  	_ =	shalt  }
0x79: {  	_ =	shalt  }
0x7a: {  	_ =	shalt  }
0x7b: {  	_ =	shalt  }
0x7c: {  	_ =	shalt  }
0x7d: {  	_ =	shalt  }
0x7e: {  	_ =	shalt  }
0x7f: {  	_ =	shalt  }
0x80: {  	_ =	shalt  }
0x81: {  	_ =	shalt  }
0x82: {  	_ =	shalt  }
0x83: {  	_ =	shalt  }
0x84: {  	_ =	shalt  }
0x85: {  	_ =	shalt  }
0x86: {  	_ =	shalt  }
0x87: {  	_ =	shalt  }
.Lfunc_end0:
.L_simem_size_0:
called_computation_lowered:
.L_overlay_start_0:
0x88: {  	s2 =	sld [smem:$0x3FD9]  }
0x89: {  	s3 =	sld [smem:$0x3FFE];
	_ =	sdelay $0x1  }
0x8a: {  	s1 =	srdreg.scid  }
0x8b: {  	s0 =	sand.u32 $0x1, s1  }
0x8c: {  	s18 =	sshll.u32 s0, $0xA;
	s2 =	sadd.s32 s3, s2  }
0x8d: {  	s2 =	sadd.s32 s2, s18  }
0x8e: {  	[smem:$0x3FC7] =	sst s2  }
0x8f: {  	_ = 	snop  }
0x90: {  	s2 =	sld [smem:$0x3FC9]  }
0x91: {  	s19 =	sld [smem:$0x3FD0];
	(tm) =	ssettm $0x1  }
0x92: {  	s4 =	sld [smem:$0x3FFB];
	_ =	sdelay $0x3  }
0x93: {  	_ =	strace s4  }
0x94: {  	s4 =	sld [smem:$0x3FFC];
	_ =	sdelay $0x3  }
0x95: {  	_ =	strace s4  }
0x96: {  	s4 =	sld [smem:$0x3FFD];
	_ =	sdelay $0x3  }
0x97: {  	_ =	strace s4  }
0x98: {  	_ =	strace $0x8FFFFFFF  }
0x99: {  	s20 =	sld [smem:$0x3FDB];
	_ =	sdelay $0x1  }
0x9a: {  	s5 =	simm.s32 $_scs_section_size  }
0x9b: {  	s6 =	simm.s32 $_size__tile_overlayer_lowered;
	s7 =	simm.s32 $_tile_overlayer_lowered  }
0x9c: {  	s23 =	simm.s32 $0x1BFF;
	s22 =	sshll.u32 s7, $0x1;
	s4 =	sadd.s32 s5, s20  }
0x9d: {  	s8 =	simm.s32 $0x0;
	s21 =	sshll.u32 s6, $0x1;
	s6 =	sadd.s32 s22, s4  }
0x9e: {  	[timem:s8], [sflag:s23] =	dma.local [hbm:s6], s21  }
0x9f: {  	_ =	swait.ge [sflag:s23], s21  }
0xa0: {  	s5 =	ssub.s32 $0x0, s21;
	[sflag:s23] =	ssyncset.done $0x0  }
0xa1: {  	[sflag:s23] =	ssyncadd.s32 s5;
	_ =	sdelay $0x1  }
0xa2: {  	s24 =	simm.s32 $0x1B8B  }
0xa3: {  	_ =	swait.ge [sflag:s24], $0x1  }
0xa4: {  	[sflag:s24] =	ssyncset.done $0x0  }
0xa5: {  	s25 =	simm.s32 $0x1B8E;
	[sflag:s24] =	ssyncadd.s32 $0xFFFFFFFF  }
0xa6: {  	s26 =	simm.s32 $execute0_lowered;
	[smem:$0x3FD2] =	sst s25  }
0xa7: {  	s5 =	sshll.u32 s26, $0x1;
	_ =	strace $0x80000046;
	[dreg:$0x1] =	wrdreg $0xFFFFFFFF  }
0xa8: {  	s28 =	simm.s32 $_size_execute0_lowered;
	s4 =	sadd.s32 s4, s5;
	[dreg:$0x0] =	wrdreg $0x0  }
0xa9: {  	s5 =	sshll.u32 s28, $0x1;
	[dreg:$0x2] =	wrdreg s4  }
0xaa: {  	[dreg:$0x3] =	wrdreg s5  }
0xab: {  	[dreg:$0x4] =	wrdreg $0xC0  }
0xac: {  	_ =	task [dreg:s8], $0x5FFFF  }
0xad: {  	[dreg:$0x1] =	wrdreg $0xFFFFFFFF  }
0xae: {  	[dreg:$0x0] =	wrdreg $0x60  }
0xaf: {  	[dreg:$0x2] =	wrdreg s2  }
0xb0: {  	[dreg:$0x3] =	wrdreg s19  }
0xb1: {  	[dreg:$0x4] =	wrdreg $0x9  }
0xb2: {  	_ =	task.clear_ibuf [dreg:s8], $0x5FFFF;
	_ =	strace $0x90000046  }
0xb3: {  	s29 =	simm.s32 $0x9;
	_ =	strace $0x80000048  }
0xb4: {  	_ =	swait.ge [sflag:s29], $0x1  }
0xb5: {  	[sflag:s29] =	ssyncadd.s32 $0xFFFFFFFF  }
0xb6: {  	_ =	strace $0x90000048  }
0xb7: {  	_ =	sfence  }
0xb8: {  	s30 =	sld [smem:$0x0];
	_ =	sdelay $0x2  }
0xb9: {  	s31 =	sshll.u32 s1, $0xD;
	s1 =	sshrl.u32 s1, $0x2  }
0xba: {  	s3 =	sand.u32 $0x4000, s31;
	s1 =	sadd.s32 s1, s30  }
0xbb: {  	s0 =	sor.u32 s3, s0;
	s1 =	sshll.u32 s1, $0x11  }
0xbc: {  	s0 =	sor.u32 s1, s0  }
0xbd: {  	s0 =	sadd.s32 $0x8F2B, s0  }
0xbe: {  	[sflag:s0] =	ssyncadd.remote.s32 $0x1  }
0xbf: {  	_ =	sfence.sel $0xFFFF  }
0xc0: {  	[dreg:$0x0] =	wrdreg $0xFFFFFFFF;
	(pc) =	sbr.abs _section_cstart, $3  }
0xc1: {  	[dreg:$0x1] =	wrdreg $0xFFFFFFFF  }
0xc2: {  	_ =	task.clear_ibuf [dreg:s8], $0x2FFFF;
	_ =	strace $0x9FFFFFFF  }
0xc3: {  	(tm) =	ssettm $0x7FFFFFFF  }
tec
execute0_lowered:
.L_overlay_start_1:
0x0: {  	(tag) =	ssettag $0x1  }
0x1: {  	s3 =	rddreg [dreg:$0x0];
	s1 =	srdreg.scid  }
0x2: {  	s0 =	stileid.u32;
	s4 =	rddreg [dreg:$0x1];
	s9 =	simm.s32 $0x80  }
0x3: {  	s10 =	simm.s32 $0x400;
	s11 =	simm.s32 $0x3;
	s12 =	simm.s32 $0x6400  }
0x4: {  	s13 =	simm.s32 $0xA400;
	s14 =	simm.s32 $0x1;
	s15 =	simm.s32 $0x2  }
0x5: {  	s16 =	simm.s32 $0x0;
	s5 =	sand.u32 $0x1, s1;
	s2 =	sshll.u32 s0, $0x1  }
0x6: {  	s1 =	rddreg [dreg:$0x2];
	s7 =	sshrl.u32 s0, $0x2;
	s6 =	sor.u32 s5, s2  }
0x7: {  	s2 =	simm.s32 $0x0;
	s7 =	smul.u32 $0x32000, s7;
	s5 =	ssub.s32 $0x2, s5  }
0x8: {  	s8 =	sshll.u32 s6, $0x7;
	[smem:$0x7FF] =	sst s2;
	s31 =	sshrl.u32 s5, $0x1  }
0x9: {  	v0 =	vlaneseq.u32;
	s6 =	sshll.u32 s6, $0xD;
	s8 =	sand.u32 $0x380, s8;
	_ =	strace $0x80000047  }
0xa: {  	v0 =	vmul.u32 $0x400, v0;
	s4 =	sadd.s32 s4, s6;
	s7 =	sor.u32 s7, s8;
	s8 =	ssub.s32 s5, s31  }
0xb: {  	v1 =	vimm.f32 $0.0e+00;
	s5 =	sadd.s32 $0x800, s4;
	s6 =	sadd.s32 $0x1000, s4;
	s7 =	sshrl.u32 s7, $0x3  }
0xc: {  	v2 =	vimm.f32 $1.000000000e+00;
	v3 =	vimm.f32 $6.553600000e+04;
	v4 =	vor.u32 $0x4000, v0;
	s8 =	smax.u32 s8, $0x1;
	s3 =	sadd.s32 s3, s7;
	s7 =	sadd.s32 $0x1800, s4  }
.LBB2_1:
0xd: {  	[tilespmem:s2], [sflag:$0x3] =	stream.strided.gather [hbm4b:s3+s9], $0x6400, s10, s9, $0x38;
	[tilespmem:$0xE400] =	vst v63  }
0xe: {  	s17 =	simm.s32 $0x0;
	s18 =	simm.s32 $0x400  }
.LBB2_2:
0xf: {  	p0 =	sne.s32 s18, $0xFC00;
	[tilespmem:s17+$0x64F0] =	vst v1  }
0x10: {  	[tilespmem:s17+$0x6400] =	vst v1  }
0x11: {  	[tilespmem:s17+$0x6410] =	vst v1  }
0x12: {  	[tilespmem:s17+$0x6420] =	vst v1  }
0x13: {  	[tilespmem:s17+$0x6430] =	vst v1  }
0x14: {  	[tilespmem:s17+$0x6440] =	vst v1  }
0x15: {  	[tilespmem:s17+$0x6450] =	vst v1  }
0x16: {  	[tilespmem:s17+$0x6460] =	vst v1  }
0x17: {  	[tilespmem:s17+$0x6470] =	vst v1  }
0x18: {  	[tilespmem:s17+$0x6480] =	vst v1  }
0x19: {  	[tilespmem:s17+$0x6490] =	vst v1  }
.Ltmp0:
0x1a: {  	[tilespmem:s17+$0x64A0] =	vst v1;
	(pc) =	sbr.rel @p0 .LBB2_2-.Ltmp0, $4  }
0x1b: {  	[tilespmem:s17+$0x64B0] =	vst v1  }
0x1c: {  	[tilespmem:s17+$0x64C0] =	vst v1  }
0x1d: {  	[tilespmem:s17+$0x64D0] =	vst v1  }
0x1e: {  	[tilespmem:s17+$0x64E0] =	vst v1;
	s17 =	sshra.s32 s18, $0x2;
	s18 =	sadd.s32 $0x400, s18  }
0x1f: {  	[tilespmem:s17+$0x64F0] =	vst v1  }
0x20: {  	[tilespmem:s17+$0x6400] =	vst v1  }
0x21: {  	[tilespmem:s17+$0x6410] =	vst v1  }
0x22: {  	[tilespmem:s17+$0x6420] =	vst v1  }
0x23: {  	[tilespmem:s17+$0x6430] =	vst v1  }
0x24: {  	[tilespmem:s17+$0x6440] =	vst v1  }
0x25: {  	[tilespmem:s17+$0x6450] =	vst v1  }
0x26: {  	[tilespmem:s17+$0x6460] =	vst v1  }
0x27: {  	[tilespmem:s17+$0x6470] =	vst v1  }
0x28: {  	[tilespmem:s17+$0x6480] =	vst v1  }
0x29: {  	[tilespmem:s17+$0x6490] =	vst v1  }
0x2a: {  	[tilespmem:s17+$0x64A0] =	vst v1  }
0x2b: {  	[tilespmem:s17+$0x64B0] =	vst v1  }
0x2c: {  	[tilespmem:s17+$0x64C0] =	vst v1  }
0x2d: {  	[tilespmem:s17+$0x64D0] =	vst v1  }
0x2e: {  	[tilespmem:s17+$0x64E0] =	vst v1;
	s17 =	simm.s32 $0x0;
	s18 =	simm.s32 $0x400  }
.LBB2_4:
0x2f: {  	p0 =	sne.s32 s18, $0xFC00;
	[tilespmem:s17+$0xA4F0] =	vst v1  }
0x30: {  	[tilespmem:s17+$0xA400] =	vst v1  }
0x31: {  	[tilespmem:s17+$0xA410] =	vst v1  }
0x32: {  	[tilespmem:s17+$0xA420] =	vst v1  }
0x33: {  	[tilespmem:s17+$0xA430] =	vst v1  }
0x34: {  	[tilespmem:s17+$0xA440] =	vst v1  }
0x35: {  	[tilespmem:s17+$0xA450] =	vst v1  }
0x36: {  	[tilespmem:s17+$0xA460] =	vst v1  }
0x37: {  	[tilespmem:s17+$0xA470] =	vst v1  }
0x38: {  	[tilespmem:s17+$0xA480] =	vst v1  }
0x39: {  	[tilespmem:s17+$0xA490] =	vst v1  }
.Ltmp1:
0x3a: {  	[tilespmem:s17+$0xA4A0] =	vst v1;
	(pc) =	sbr.rel @p0 .LBB2_4-.Ltmp1, $4  }
0x3b: {  	[tilespmem:s17+$0xA4B0] =	vst v1  }
0x3c: {  	[tilespmem:s17+$0xA4C0] =	vst v1  }
0x3d: {  	[tilespmem:s17+$0xA4D0] =	vst v1  }
0x3e: {  	[tilespmem:s17+$0xA4E0] =	vst v1;
	s17 =	sshra.s32 s18, $0x2;
	s18 =	sadd.s32 $0x400, s18  }
0x3f: {  	[tilespmem:s17+$0xA4F0] =	vst v1  }
0x40: {  	[tilespmem:s17+$0xA400] =	vst v1  }
0x41: {  	[tilespmem:s17+$0xA410] =	vst v1  }
0x42: {  	[tilespmem:s17+$0xA420] =	vst v1  }
0x43: {  	[tilespmem:s17+$0xA430] =	vst v1  }
0x44: {  	[tilespmem:s17+$0xA440] =	vst v1  }
0x45: {  	[tilespmem:s17+$0xA450] =	vst v1  }
0x46: {  	[tilespmem:s17+$0xA460] =	vst v1  }
0x47: {  	[tilespmem:s17+$0xA470] =	vst v1  }
0x48: {  	[tilespmem:s17+$0xA480] =	vst v1  }
0x49: {  	[tilespmem:s17+$0xA490] =	vst v1  }
0x4a: {  	[tilespmem:s17+$0xA4A0] =	vst v1  }
0x4b: {  	[tilespmem:s17+$0xA4B0] =	vst v1  }
0x4c: {  	[tilespmem:s17+$0xA4C0] =	vst v1  }
0x4d: {  	[tilespmem:s17+$0xA4D0] =	vst v1  }
0x4e: {  	[tilespmem:s17+$0xA4E0] =	vst v1  }
0x4f: {  	_ =	swait.ge [sflag:s11], $0x6400  }
0x50: {  	[sflag:s11] =	ssyncset.done $0x0  }
0x51: {  	s17 =	simm.s32 $0x0;
	[sflag:s11] =	ssyncadd.s32 $0xFFFF9C00  }
.LBB2_6:
0x52: {  	s18 =	sshra.s32 s17, $0x2  }
0x53: {  	v5 =	vld [tilespmem:s18+$0x0];
	_ =	sdelay $0x4  }
0x54: {  	v5 =	vadd.s32 v0, v5;
	_ =	sdelay $0x4  }
0x55: {  	[tilespmem:v5+s12+$0x0] =	vst.idx.add.f32.msk $0xffff, v2  }
0x56: {  	v5 =	vld [tilespmem:s18+$0x10];
	_ =	sdelay $0x4  }
0x57: {  	v5 =	vadd.s32 v0, v5;
	_ =	sdelay $0x4  }
0x58: {  	[tilespmem:v5+s12+$0x0] =	vst.idx.add.f32.msk $0xffff, v3  }
0x59: {  	v5 =	vld [tilespmem:s18+$0x80];
	_ =	sdelay $0x4  }
0x5a: {  	v5 =	vadd.s32 v0, v5;
	_ =	sdelay $0x4  }
0x5b: {  	[tilespmem:v5+s12+$0x0] =	vst.idx.add.f32.msk $0xffff, v2  }
0x5c: {  	v5 =	vld [tilespmem:s18+$0x90];
	_ =	sdelay $0x4  }
0x5d: {  	v5 =	vadd.s32 v0, v5;
	_ =	sdelay $0x4  }
0x5e: {  	[tilespmem:v5+s12+$0x0] =	vst.idx.add.f32.msk $0xffff, v3  }
0x5f: {  	v5 =	vld [tilespmem:s18+$0x100];
	_ =	sdelay $0x4  }
0x60: {  	v5 =	vadd.s32 v0, v5;
	_ =	sdelay $0x4  }
0x61: {  	[tilespmem:v5+s12+$0x0] =	vst.idx.add.f32.msk $0xffff, v2  }
0x62: {  	v5 =	vld [tilespmem:s18+$0x110];
	_ =	sdelay $0x4  }
0x63: {  	v5 =	vadd.s32 v0, v5;
	_ =	sdelay $0x4  }
0x64: {  	[tilespmem:v5+s12+$0x0] =	vst.idx.add.f32.msk $0xffff, v3  }
0x65: {  	v5 =	vld [tilespmem:s18+$0x180];
	_ =	sdelay $0x4  }
0x66: {  	v5 =	vadd.s32 v0, v5;
	_ =	sdelay $0x4  }
0x67: {  	[tilespmem:v5+s12+$0x0] =	vst.idx.add.f32.msk $0xffff, v2  }
0x68: {  	v5 =	vld [tilespmem:s18+$0x190];
	_ =	sdelay $0x4  }
0x69: {  	v5 =	vadd.s32 v0, v5;
	_ =	sdelay $0x4  }
0x6a: {  	[tilespmem:v5+s12+$0x0] =	vst.idx.add.f32.msk $0xffff, v3  }
0x6b: {  	v5 =	vld [tilespmem:s18+$0x200];
	_ =	sdelay $0x4  }
0x6c: {  	v5 =	vadd.s32 v0, v5;
	_ =	sdelay $0x4  }
0x6d: {  	[tilespmem:v5+s12+$0x0] =	vst.idx.add.f32.msk $0xffff, v2  }
0x6e: {  	v5 =	vld [tilespmem:s18+$0x210];
	_ =	sdelay $0x4  }
0x6f: {  	v5 =	vadd.s32 v0, v5;
	_ =	sdelay $0x4  }
0x70: {  	[tilespmem:v5+s12+$0x0] =	vst.idx.add.f32.msk $0xffff, v3  }
0x71: {  	v5 =	vld [tilespmem:s18+$0x280];
	_ =	sdelay $0x4  }
0x72: {  	v5 =	vadd.s32 v0, v5;
	_ =	sdelay $0x4  }
0x73: {  	[tilespmem:v5+s12+$0x0] =	vst.idx.add.f32.msk $0xffff, v2  }
0x74: {  	v5 =	vld [tilespmem:s18+$0x290];
	_ =	sdelay $0x4  }
0x75: {  	v5 =	vadd.s32 v0, v5;
	_ =	sdelay $0x4  }
0x76: {  	[tilespmem:v5+s12+$0x0] =	vst.idx.add.f32.msk $0xffff, v3  }
0x77: {  	v5 =	vld [tilespmem:s18+$0x300];
	_ =	sdelay $0x4  }
0x78: {  	v5 =	vadd.s32 v0, v5;
	_ =	sdelay $0x4  }
0x79: {  	[tilespmem:v5+s12+$0x0] =	vst.idx.add.f32.msk $0xffff, v2  }
0x7a: {  	v5 =	vld [tilespmem:s18+$0x310];
	_ =	sdelay $0x4  }
0x7b: {  	v5 =	vadd.s32 v0, v5;
	_ =	sdelay $0x4  }
0x7c: {  	[tilespmem:v5+s12+$0x0] =	vst.idx.add.f32.msk $0xffff, v3  }
0x7d: {  	v5 =	vld [tilespmem:s18+$0x380];
	_ =	sdelay $0x4  }
0x7e: {  	v5 =	vadd.s32 v0, v5;
	_ =	sdelay $0x4  }
0x7f: {  	[tilespmem:v5+s12+$0x0] =	vst.idx.add.f32.msk $0xffff, v2  }
0x80: {  	v5 =	vld [tilespmem:s18+$0x390];
	_ =	sdelay $0x4  }
0x81: {  	p0 =	sne.s32 s17, $0x18000;
	v5 =	vadd.s32 v0, v5  }
.Ltmp2:
0x82: {  	_ = 	snop;
	(pc) =	sbr.rel @p0 .LBB2_6-.Ltmp2, $2  }
0x83: {  	_ =	sdelay $0x2  }
0x84: {  	s17 =	sadd.s32 $0x1000, s17;
	[tilespmem:v5+s12+$0x0] =	vst.idx.add.f32.msk $0xffff, v3  }
0x85: {  	s17 =	simm.s32 $0x0  }
0x86: {  	[hbm4b:s4+s17] =	stream.linear.scatter [tilespmem:s12], [sflag:$0x1], $0x4000, $0x38;
	[tilespmem:$0xE400] =	vst v63  }
.LBB2_8:
0x87: {  	s18 =	sshra.s32 s17, $0x2  }
0x88: {  	v5 =	vld [tilespmem:s18+$0x20];
	_ =	sdelay $0x4  }
0x89: {  	v5 =	vadd.s32 v4, v5;
	_ =	sdelay $0x4  }
0x8a: {  	[tilespmem:v5+s12+$0x0] =	vst.idx.add.f32.msk $0xffff, v2  }
0x8b: {  	v5 =	vld [tilespmem:s18+$0x30];
	_ =	sdelay $0x4  }
0x8c: {  	v5 =	vadd.s32 v4, v5;
	_ =	sdelay $0x4  }
0x8d: {  	[tilespmem:v5+s12+$0x0] =	vst.idx.add.f32.msk $0xffff, v3  }
0x8e: {  	v5 =	vld [tilespmem:s18+$0xA0];
	_ =	sdelay $0x4  }
0x8f: {  	v5 =	vadd.s32 v4, v5;
	_ =	sdelay $0x4  }
0x90: {  	[tilespmem:v5+s12+$0x0] =	vst.idx.add.f32.msk $0xffff, v2  }
0x91: {  	v5 =	vld [tilespmem:s18+$0xB0];
	_ =	sdelay $0x4  }
0x92: {  	v5 =	vadd.s32 v4, v5;
	_ =	sdelay $0x4  }
0x93: {  	[tilespmem:v5+s12+$0x0] =	vst.idx.add.f32.msk $0xffff, v3  }
0x94: {  	v5 =	vld [tilespmem:s18+$0x120];
	_ =	sdelay $0x4  }
0x95: {  	v5 =	vadd.s32 v4, v5;
	_ =	sdelay $0x4  }
0x96: {  	[tilespmem:v5+s12+$0x0] =	vst.idx.add.f32.msk $0xffff, v2  }
0x97: {  	v5 =	vld [tilespmem:s18+$0x130];
	_ =	sdelay $0x4  }
0x98: {  	v5 =	vadd.s32 v4, v5;
	_ =	sdelay $0x4  }
0x99: {  	[tilespmem:v5+s12+$0x0] =	vst.idx.add.f32.msk $0xffff, v3  }
0x9a: {  	v5 =	vld [tilespmem:s18+$0x1A0];
	_ =	sdelay $0x4  }
0x9b: {  	v5 =	vadd.s32 v4, v5;
	_ =	sdelay $0x4  }
0x9c: {  	[tilespmem:v5+s12+$0x0] =	vst.idx.add.f32.msk $0xffff, v2  }
0x9d: {  	v5 =	vld [tilespmem:s18+$0x1B0];
	_ =	sdelay $0x4  }
0x9e: {  	v5 =	vadd.s32 v4, v5;
	_ =	sdelay $0x4  }
0x9f: {  	[tilespmem:v5+s12+$0x0] =	vst.idx.add.f32.msk $0xffff, v3  }
0xa0: {  	v5 =	vld [tilespmem:s18+$0x220];
	_ =	sdelay $0x4  }
0xa1: {  	v5 =	vadd.s32 v4, v5;
	_ =	sdelay $0x4  }
0xa2: {  	[tilespmem:v5+s12+$0x0] =	vst.idx.add.f32.msk $0xffff, v2  }
0xa3: {  	v5 =	vld [tilespmem:s18+$0x230];
	_ =	sdelay $0x4  }
0xa4: {  	v5 =	vadd.s32 v4, v5;
	_ =	sdelay $0x4  }
0xa5: {  	[tilespmem:v5+s12+$0x0] =	vst.idx.add.f32.msk $0xffff, v3  }
0xa6: {  	v5 =	vld [tilespmem:s18+$0x2A0];
	_ =	sdelay $0x4  }
0xa7: {  	v5 =	vadd.s32 v4, v5;
	_ =	sdelay $0x4  }
0xa8: {  	[tilespmem:v5+s12+$0x0] =	vst.idx.add.f32.msk $0xffff, v2  }
0xa9: {  	v5 =	vld [tilespmem:s18+$0x2B0];
	_ =	sdelay $0x4  }
0xaa: {  	v5 =	vadd.s32 v4, v5;
	_ =	sdelay $0x4  }
0xab: {  	[tilespmem:v5+s12+$0x0] =	vst.idx.add.f32.msk $0xffff, v3  }
0xac: {  	v5 =	vld [tilespmem:s18+$0x320];
	_ =	sdelay $0x4  }
0xad: {  	v5 =	vadd.s32 v4, v5;
	_ =	sdelay $0x4  }
0xae: {  	[tilespmem:v5+s12+$0x0] =	vst.idx.add.f32.msk $0xffff, v2  }
0xaf: {  	v5 =	vld [tilespmem:s18+$0x330];
	_ =	sdelay $0x4  }
0xb0: {  	v5 =	vadd.s32 v4, v5;
	_ =	sdelay $0x4  }
0xb1: {  	[tilespmem:v5+s12+$0x0] =	vst.idx.add.f32.msk $0xffff, v3  }
0xb2: {  	v5 =	vld [tilespmem:s18+$0x3A0];
	_ =	sdelay $0x4  }
0xb3: {  	v5 =	vadd.s32 v4, v5;
	_ =	sdelay $0x4  }
0xb4: {  	[tilespmem:v5+s12+$0x0] =	vst.idx.add.f32.msk $0xffff, v2  }
0xb5: {  	v5 =	vld [tilespmem:s18+$0x3B0];
	_ =	sdelay $0x4  }
0xb6: {  	p0 =	sne.s32 s17, $0x18000;
	v5 =	vadd.s32 v4, v5  }
.Ltmp3:
0xb7: {  	_ = 	snop;
	(pc) =	sbr.rel @p0 .LBB2_8-.Ltmp3, $2  }
0xb8: {  	_ =	sdelay $0x2  }
0xb9: {  	s17 =	sadd.s32 $0x1000, s17;
	[tilespmem:v5+s12+$0x0] =	vst.idx.add.f32.msk $0xffff, v3  }
0xba: {  	s17 =	simm.s32 $0x0  }
0xbb: {  	[hbm4b:s5+s17] =	stream.linear.scatter [tilespmem:s13], [sflag:$0x2], $0x4000, $0x38;
	[tilespmem:$0xE400] =	vst v63  }
0xbc: {  	_ =	swait.ge [sflag:s14], $0x4000  }
0xbd: {  	[sflag:s14] =	ssyncset.done $0x0  }
0xbe: {  	s18 =	simm.s32 $0x0;
	s19 =	simm.s32 $0x400;
	[sflag:s14] =	ssyncadd.s32 $0xFFFFC000  }
.LBB2_10:
0xbf: {  	p0 =	sne.s32 s19, $0xFC00;
	[tilespmem:s18+$0x64F0] =	vst v1  }
0xc0: {  	[tilespmem:s18+$0x6400] =	vst v1  }
0xc1: {  	[tilespmem:s18+$0x6410] =	vst v1  }
0xc2: {  	[tilespmem:s18+$0x6420] =	vst v1  }
0xc3: {  	[tilespmem:s18+$0x6430] =	vst v1  }
0xc4: {  	[tilespmem:s18+$0x6440] =	vst v1  }
0xc5: {  	[tilespmem:s18+$0x6450] =	vst v1  }
0xc6: {  	[tilespmem:s18+$0x6460] =	vst v1  }
0xc7: {  	[tilespmem:s18+$0x6470] =	vst v1  }
0xc8: {  	[tilespmem:s18+$0x6480] =	vst v1  }
0xc9: {  	[tilespmem:s18+$0x6490] =	vst v1  }
.Ltmp4:
0xca: {  	[tilespmem:s18+$0x64A0] =	vst v1;
	(pc) =	sbr.rel @p0 .LBB2_10-.Ltmp4, $4  }
0xcb: {  	[tilespmem:s18+$0x64B0] =	vst v1  }
0xcc: {  	[tilespmem:s18+$0x64C0] =	vst v1  }
0xcd: {  	[tilespmem:s18+$0x64D0] =	vst v1  }
0xce: {  	[tilespmem:s18+$0x64E0] =	vst v1;
	s18 =	sshra.s32 s19, $0x2;
	s19 =	sadd.s32 $0x400, s19  }
0xcf: {  	[tilespmem:s18+$0x64F0] =	vst v1  }
0xd0: {  	[tilespmem:s18+$0x6400] =	vst v1  }
0xd1: {  	[tilespmem:s18+$0x6410] =	vst v1  }
0xd2: {  	[tilespmem:s18+$0x6420] =	vst v1  }
0xd3: {  	[tilespmem:s18+$0x6430] =	vst v1  }
0xd4: {  	[tilespmem:s18+$0x6440] =	vst v1  }
0xd5: {  	[tilespmem:s18+$0x6450] =	vst v1  }
0xd6: {  	[tilespmem:s18+$0x6460] =	vst v1  }
0xd7: {  	[tilespmem:s18+$0x6470] =	vst v1  }
0xd8: {  	[tilespmem:s18+$0x6480] =	vst v1  }
0xd9: {  	[tilespmem:s18+$0x6490] =	vst v1  }
0xda: {  	[tilespmem:s18+$0x64A0] =	vst v1  }
0xdb: {  	[tilespmem:s18+$0x64B0] =	vst v1  }
0xdc: {  	[tilespmem:s18+$0x64C0] =	vst v1  }
0xdd: {  	[tilespmem:s18+$0x64D0] =	vst v1  }
0xde: {  	[tilespmem:s18+$0x64E0] =	vst v1  }
.LBB2_12:
0xdf: {  	s18 =	sshra.s32 s17, $0x2  }
0xe0: {  	v5 =	vld [tilespmem:s18+$0x40];
	_ =	sdelay $0x4  }
0xe1: {  	v5 =	vadd.s32 v0, v5;
	_ =	sdelay $0x4  }
0xe2: {  	[tilespmem:v5+s12+$0x0] =	vst.idx.add.f32.msk $0xffff, v2  }
0xe3: {  	v5 =	vld [tilespmem:s18+$0x50];
	_ =	sdelay $0x4  }
0xe4: {  	v5 =	vadd.s32 v0, v5;
	_ =	sdelay $0x4  }
0xe5: {  	[tilespmem:v5+s12+$0x0] =	vst.idx.add.f32.msk $0xffff, v3  }
0xe6: {  	v5 =	vld [tilespmem:s18+$0xC0];
	_ =	sdelay $0x4  }
0xe7: {  	v5 =	vadd.s32 v0, v5;
	_ =	sdelay $0x4  }
0xe8: {  	[tilespmem:v5+s12+$0x0] =	vst.idx.add.f32.msk $0xffff, v2  }
0xe9: {  	v5 =	vld [tilespmem:s18+$0xD0];
	_ =	sdelay $0x4  }
0xea: {  	v5 =	vadd.s32 v0, v5;
	_ =	sdelay $0x4  }
0xeb: {  	[tilespmem:v5+s12+$0x0] =	vst.idx.add.f32.msk $0xffff, v3  }
0xec: {  	v5 =	vld [tilespmem:s18+$0x140];
	_ =	sdelay $0x4  }
0xed: {  	v5 =	vadd.s32 v0, v5;
	_ =	sdelay $0x4  }
0xee: {  	[tilespmem:v5+s12+$0x0] =	vst.idx.add.f32.msk $0xffff, v2  }
0xef: {  	v5 =	vld [tilespmem:s18+$0x150];
	_ =	sdelay $0x4  }
0xf0: {  	v5 =	vadd.s32 v0, v5;
	_ =	sdelay $0x4  }
0xf1: {  	[tilespmem:v5+s12+$0x0] =	vst.idx.add.f32.msk $0xffff, v3  }
0xf2: {  	v5 =	vld [tilespmem:s18+$0x1C0];
	_ =	sdelay $0x4  }
0xf3: {  	v5 =	vadd.s32 v0, v5;
	_ =	sdelay $0x4  }
0xf4: {  	[tilespmem:v5+s12+$0x0] =	vst.idx.add.f32.msk $0xffff, v2  }
0xf5: {  	v5 =	vld [tilespmem:s18+$0x1D0];
	_ =	sdelay $0x4  }
0xf6: {  	v5 =	vadd.s32 v0, v5;
	_ =	sdelay $0x4  }
0xf7: {  	[tilespmem:v5+s12+$0x0] =	vst.idx.add.f32.msk $0xffff, v3  }
0xf8: {  	v5 =	vld [tilespmem:s18+$0x240];
	_ =	sdelay $0x4  }
0xf9: {  	v5 =	vadd.s32 v0, v5;
	_ =	sdelay $0x4  }
0xfa: {  	[tilespmem:v5+s12+$0x0] =	vst.idx.add.f32.msk $0xffff, v2  }
0xfb: {  	v5 =	vld [tilespmem:s18+$0x250];
	_ =	sdelay $0x4  }
0xfc: {  	v5 =	vadd.s32 v0, v5;
	_ =	sdelay $0x4  }
0xfd: {  	[tilespmem:v5+s12+$0x0] =	vst.idx.add.f32.msk $0xffff, v3  }
0xfe: {  	v5 =	vld [tilespmem:s18+$0x2C0];
	_ =	sdelay $0x4  }
0xff: {  	v5 =	vadd.s32 v0, v5;
	_ =	sdelay $0x4  }
0x100: {  	[tilespmem:v5+s12+$0x0] =	vst.idx.add.f32.msk $0xffff, v2  }
0x101: {  	v5 =	vld [tilespmem:s18+$0x2D0];
	_ =	sdelay $0x4  }
0x102: {  	v5 =	vadd.s32 v0, v5;
	_ =	sdelay $0x4  }
0x103: {  	[tilespmem:v5+s12+$0x0] =	vst.idx.add.f32.msk $0xffff, v3  }
0x104: {  	v5 =	vld [tilespmem:s18+$0x340];
	_ =	sdelay $0x4  }
0x105: {  	v5 =	vadd.s32 v0, v5;
	_ =	sdelay $0x4  }
0x106: {  	[tilespmem:v5+s12+$0x0] =	vst.idx.add.f32.msk $0xffff, v2  }
0x107: {  	v5 =	vld [tilespmem:s18+$0x350];
	_ =	sdelay $0x4  }
0x108: {  	v5 =	vadd.s32 v0, v5;
	_ =	sdelay $0x4  }
0x109: {  	[tilespmem:v5+s12+$0x0] =	vst.idx.add.f32.msk $0xffff, v3  }
0x10a: {  	v5 =	vld [tilespmem:s18+$0x3C0];
	_ =	sdelay $0x4  }
0x10b: {  	v5 =	vadd.s32 v0, v5;
	_ =	sdelay $0x4  }
0x10c: {  	[tilespmem:v5+s12+$0x0] =	vst.idx.add.f32.msk $0xffff, v2  }
0x10d: {  	v5 =	vld [tilespmem:s18+$0x3D0];
	_ =	sdelay $0x4  }
0x10e: {  	p0 =	sne.s32 s17, $0x18000;
	v5 =	vadd.s32 v0, v5  }
.Ltmp5:
0x10f: {  	_ = 	snop;
	(pc) =	sbr.rel @p0 .LBB2_12-.Ltmp5, $2  }
0x110: {  	_ =	sdelay $0x2  }
0x111: {  	s17 =	sadd.s32 $0x1000, s17;
	[tilespmem:v5+s12+$0x0] =	vst.idx.add.f32.msk $0xffff, v3  }
0x112: {  	s17 =	simm.s32 $0x0  }
0x113: {  	[hbm4b:s6+s17] =	stream.linear.scatter [tilespmem:s12], [sflag:$0x1], $0x4000, $0x38;
	[tilespmem:$0xE400] =	vst v63  }
0x114: {  	_ =	swait.ge [sflag:s15], $0x4000  }
0x115: {  	[sflag:s15] =	ssyncset.done $0x0  }
0x116: {  	s18 =	simm.s32 $0x0;
	s19 =	simm.s32 $0x400;
	[sflag:s15] =	ssyncadd.s32 $0xFFFFC000  }
.LBB2_14:
0x117: {  	p0 =	sne.s32 s19, $0xFC00;
	[tilespmem:s18+$0xA4F0] =	vst v1  }
0x118: {  	[tilespmem:s18+$0xA400] =	vst v1  }
0x119: {  	[tilespmem:s18+$0xA410] =	vst v1  }
0x11a: {  	[tilespmem:s18+$0xA420] =	vst v1  }
0x11b: {  	[tilespmem:s18+$0xA430] =	vst v1  }
0x11c: {  	[tilespmem:s18+$0xA440] =	vst v1  }
0x11d: {  	[tilespmem:s18+$0xA450] =	vst v1  }
0x11e: {  	[tilespmem:s18+$0xA460] =	vst v1  }
0x11f: {  	[tilespmem:s18+$0xA470] =	vst v1  }
0x120: {  	[tilespmem:s18+$0xA480] =	vst v1  }
0x121: {  	[tilespmem:s18+$0xA490] =	vst v1  }
.Ltmp6:
0x122: {  	[tilespmem:s18+$0xA4A0] =	vst v1;
	(pc) =	sbr.rel @p0 .LBB2_14-.Ltmp6, $4  }
0x123: {  	[tilespmem:s18+$0xA4B0] =	vst v1  }
0x124: {  	[tilespmem:s18+$0xA4C0] =	vst v1  }
0x125: {  	[tilespmem:s18+$0xA4D0] =	vst v1  }
0x126: {  	[tilespmem:s18+$0xA4E0] =	vst v1;
	s18 =	sshra.s32 s19, $0x2;
	s19 =	sadd.s32 $0x400, s19  }
0x127: {  	[tilespmem:s18+$0xA4F0] =	vst v1  }
0x128: {  	[tilespmem:s18+$0xA400] =	vst v1  }
0x129: {  	[tilespmem:s18+$0xA410] =	vst v1  }
0x12a: {  	[tilespmem:s18+$0xA420] =	vst v1  }
0x12b: {  	[tilespmem:s18+$0xA430] =	vst v1  }
0x12c: {  	[tilespmem:s18+$0xA440] =	vst v1  }
0x12d: {  	[tilespmem:s18+$0xA450] =	vst v1  }
0x12e: {  	[tilespmem:s18+$0xA460] =	vst v1  }
0x12f: {  	[tilespmem:s18+$0xA470] =	vst v1  }
0x130: {  	[tilespmem:s18+$0xA480] =	vst v1  }
0x131: {  	[tilespmem:s18+$0xA490] =	vst v1  }
0x132: {  	[tilespmem:s18+$0xA4A0] =	vst v1  }
0x133: {  	[tilespmem:s18+$0xA4B0] =	vst v1  }
0x134: {  	[tilespmem:s18+$0xA4C0] =	vst v1  }
0x135: {  	[tilespmem:s18+$0xA4D0] =	vst v1  }
0x136: {  	[tilespmem:s18+$0xA4E0] =	vst v1  }
.LBB2_16:
0x137: {  	s18 =	sshra.s32 s17, $0x2  }
0x138: {  	v5 =	vld [tilespmem:s18+$0x60];
	_ =	sdelay $0x4  }
0x139: {  	v5 =	vadd.s32 v4, v5;
	_ =	sdelay $0x4  }
0x13a: {  	[tilespmem:v5+s12+$0x0] =	vst.idx.add.f32.msk $0xffff, v2  }
0x13b: {  	v5 =	vld [tilespmem:s18+$0x70];
	_ =	sdelay $0x4  }
0x13c: {  	v5 =	vadd.s32 v4, v5;
	_ =	sdelay $0x4  }
0x13d: {  	[tilespmem:v5+s12+$0x0] =	vst.idx.add.f32.msk $0xffff, v3  }
0x13e: {  	v5 =	vld [tilespmem:s18+$0xE0];
	_ =	sdelay $0x4  }
0x13f: {  	v5 =	vadd.s32 v4, v5;
	_ =	sdelay $0x4  }
0x140: {  	[tilespmem:v5+s12+$0x0] =	vst.idx.add.f32.msk $0xffff, v2  }
0x141: {  	v5 =	vld [tilespmem:s18+$0xF0];
	_ =	sdelay $0x4  }
0x142: {  	v5 =	vadd.s32 v4, v5;
	_ =	sdelay $0x4  }
0x143: {  	[tilespmem:v5+s12+$0x0] =	vst.idx.add.f32.msk $0xffff, v3  }
0x144: {  	v5 =	vld [tilespmem:s18+$0x160];
	_ =	sdelay $0x4  }
0x145: {  	v5 =	vadd.s32 v4, v5;
	_ =	sdelay $0x4  }
0x146: {  	[tilespmem:v5+s12+$0x0] =	vst.idx.add.f32.msk $0xffff, v2  }
0x147: {  	v5 =	vld [tilespmem:s18+$0x170];
	_ =	sdelay $0x4  }
0x148: {  	v5 =	vadd.s32 v4, v5;
	_ =	sdelay $0x4  }
0x149: {  	[tilespmem:v5+s12+$0x0] =	vst.idx.add.f32.msk $0xffff, v3  }
0x14a: {  	v5 =	vld [tilespmem:s18+$0x1E0];
	_ =	sdelay $0x4  }
0x14b: {  	v5 =	vadd.s32 v4, v5;
	_ =	sdelay $0x4  }
0x14c: {  	[tilespmem:v5+s12+$0x0] =	vst.idx.add.f32.msk $0xffff, v2  }
0x14d: {  	v5 =	vld [tilespmem:s18+$0x1F0];
	_ =	sdelay $0x4  }
0x14e: {  	v5 =	vadd.s32 v4, v5;
	_ =	sdelay $0x4  }
0x14f: {  	[tilespmem:v5+s12+$0x0] =	vst.idx.add.f32.msk $0xffff, v3  }
0x150: {  	v5 =	vld [tilespmem:s18+$0x260];
	_ =	sdelay $0x4  }
0x151: {  	v5 =	vadd.s32 v4, v5;
	_ =	sdelay $0x4  }
0x152: {  	[tilespmem:v5+s12+$0x0] =	vst.idx.add.f32.msk $0xffff, v2  }
0x153: {  	v5 =	vld [tilespmem:s18+$0x270];
	_ =	sdelay $0x4  }
0x154: {  	v5 =	vadd.s32 v4, v5;
	_ =	sdelay $0x4  }
0x155: {  	[tilespmem:v5+s12+$0x0] =	vst.idx.add.f32.msk $0xffff, v3  }
0x156: {  	v5 =	vld [tilespmem:s18+$0x2E0];
	_ =	sdelay $0x4  }
0x157: {  	v5 =	vadd.s32 v4, v5;
	_ =	sdelay $0x4  }
0x158: {  	[tilespmem:v5+s12+$0x0] =	vst.idx.add.f32.msk $0xffff, v2  }
0x159: {  	v5 =	vld [tilespmem:s18+$0x2F0];
	_ =	sdelay $0x4  }
0x15a: {  	v5 =	vadd.s32 v4, v5;
	_ =	sdelay $0x4  }
0x15b: {  	[tilespmem:v5+s12+$0x0] =	vst.idx.add.f32.msk $0xffff, v3  }
0x15c: {  	v5 =	vld [tilespmem:s18+$0x360];
	_ =	sdelay $0x4  }
0x15d: {  	v5 =	vadd.s32 v4, v5;
	_ =	sdelay $0x4  }
0x15e: {  	[tilespmem:v5+s12+$0x0] =	vst.idx.add.f32.msk $0xffff, v2  }
0x15f: {  	v5 =	vld [tilespmem:s18+$0x370];
	_ =	sdelay $0x4  }
0x160: {  	v5 =	vadd.s32 v4, v5;
	_ =	sdelay $0x4  }
0x161: {  	[tilespmem:v5+s12+$0x0] =	vst.idx.add.f32.msk $0xffff, v3  }
0x162: {  	v5 =	vld [tilespmem:s18+$0x3E0];
	_ =	sdelay $0x4  }
0x163: {  	v5 =	vadd.s32 v4, v5;
	_ =	sdelay $0x4  }
0x164: {  	[tilespmem:v5+s12+$0x0] =	vst.idx.add.f32.msk $0xffff, v2  }
0x165: {  	v5 =	vld [tilespmem:s18+$0x3F0];
	_ =	sdelay $0x4  }
0x166: {  	p0 =	sne.s32 s17, $0x18000;
	v5 =	vadd.s32 v4, v5  }
.Ltmp7:
0x167: {  	_ = 	snop;
	(pc) =	sbr.rel @p0 .LBB2_16-.Ltmp7, $2  }
0x168: {  	_ =	sdelay $0x2  }
0x169: {  	s17 =	sadd.s32 $0x1000, s17;
	[tilespmem:v5+s12+$0x0] =	vst.idx.add.f32.msk $0xffff, v3  }
0x16a: {  	[hbm4b:s7+s2] =	stream.linear.scatter [tilespmem:s13], [sflag:$0x2], $0x4000, $0x38;
	[tilespmem:$0xE400] =	vst v63  }
0x16b: {  	s16 =	sadd.s32 $0x1, s16  }
0x16c: {  	_ =	swait.ge [sflag:s14], $0x4000;
	p0 =	sne.s32 s16, s8  }
.Ltmp8:
0x16d: {  	[sflag:s14] =	ssyncset.done $0x0;
	(pc) =	sbr.rel @p0 .LBB2_1-.Ltmp8, $4  }
0x16e: {  	[sflag:s14] =	ssyncadd.s32 $0xFFFFC000  }
0x16f: {  	_ =	swait.ge [sflag:s15], $0x4000  }
0x170: {  	[sflag:s15] =	ssyncset.done $0x0  }
0x171: {  	[sflag:s15] =	ssyncadd.s32 $0xFFFFC000  }
0x172: {  	_ =	sfence.sel $0x180000  }
0x173: {  	[bflag:$0x0] =	sbarrier.arrive $0xFFFF  }
0x174: {  	p0 =	sne.s32 s0, $0x0;
	_ =	strace $0x90000047  }
0x175: {  	s0 =	sadd.s32 @!p0 $0x100000, s1;
	[bflag:$0x2] =	sbarrier.arrive $0xFFFF  }
0x176: {  	[sflag:s0] =	ssyncadd.tile.s32 @!p0 $0x1;
	_ =	shalt  }
.Lfunc_end2:
_tile_overlayer_lowered:
.L_overlay_start_2:
0x177: {  	(tag) =	ssettag $0x2  }
0x178: {  	s0 =	rddreg [dreg:$0x0];
	s2 =	stileid.u32  }
0x179: {  	s1 =	rddreg [dreg:$0x1];
	p0 =	sne.s32 s2, $0x0  }
0x17a: {  	s3 =	rddreg [dreg:$0x2];
	[bflag:$0x3] =	sbarrier.arrive $0xFFFF;
	s2 =	simm.s32 @!p0 $0x1C04  }
0x17b: {  	[timem:s3], [sflag:s2] =	dma.local @!p0 [hbm:s0], s1  }
0x17c: {  	s0 =	simm.s32 @!p0 $0x4  }
0x17d: {  	_ =	swait.ge @!p0 [sflag:s0], s1  }
0x17e: {  	s1 =	ssub.s32 @!p0 $0x0, s1;
	[sflag:s0] =	ssyncset.done @!p0 $0x0  }
0x17f: {  	[sflag:s0] =	ssyncadd.s32 @!p0 s1  }
0x180: {  	[bflag:$0x3] =	sbarrier.arrive $0xFFFF  }
0x181: {  	_ =	shalt  }

</sc_bundles>
